<compile_context>
chip_gen: v7x
topology: tpu7x:2x2x1
jax: 0.10.2.dev20260603
libtpu: 0.0.44.dev20260713+nightly
codegen_flags: <defaults>
</compile_context>

<pallas_src>
import functools

import jax
import jax.numpy as jnp
from jax import lax
from jax.experimental import pallas as pl
from jax.experimental.pallas import tpu as pltpu, tpu_sc as plsc


@functools.cache
def _build_gather(T, S, V, D):
    info = plsc.get_sparse_core_info()
    NC, NS = info.num_cores, info.num_subcores
    NW = NC * NS
    DB = D // 8
    CT = 512
    NTB = T // CT
    NU = S * NTB
    assert NU % NW == 0
    u_per_w = NU // NW
    assert u_per_w % 2 == 0
    ROWLEN = (T // 128) * 8 * 128
    UNIT = (CT // 128) * 8 * 128
    mesh = plsc.VectorSubcoreMesh(core_axis_name="c", subcore_axis_name="s")

    @functools.partial(
        pl.kernel,
        mesh=mesh,
        compiler_params=pltpu.CompilerParams(
            use_tc_tiling_on_sc=False, needs_layout_passes=False
        ),
        out_type=jax.ShapeDtypeStruct((S * DB * ROWLEN,), jnp.float32),
        scratch_types=[
            pltpu.VMEM((2, CT), jnp.int32),
            pltpu.VMEM((2, CT, D), jnp.float32),
            pltpu.VMEM((2, DB * UNIT), jnp.float32),
            pltpu.SemaphoreType.DMA,
            pltpu.SemaphoreType.DMA,
            pltpu.SemaphoreType.DMA,
            pltpu.SemaphoreType.DMA,
            pltpu.SemaphoreType.DMA,
            pltpu.SemaphoreType.DMA,
        ],
    )
    def gather_kernel(
        table_hbm, xt_hbm, out_hbm, idx_v, rows_v, trans_v,
        is0, is1, gs0, gs1, os0, os1,
    ):
        wid = lax.axis_index("s") * NC + lax.axis_index("c")
        u0 = wid * u_per_w
        iota = lax.iota(jnp.int32, 16)
        abase = (iota & 7) * 128 + (iota >> 3) * UNIT
        isem = (is0, is1)
        gsem = (gs0, gs1)
        osem = (os0, os1)

        def idx_copy(u, b):
            return pltpu.make_async_copy(
                xt_hbm.at[u >> 5, pl.ds((u & (NTB - 1)) * CT, CT)],
                idx_v.at[b],
                isem[b],
            )

        def gather_copy(b):
            return pltpu.make_async_copy(
                table_hbm.at[idx_v.at[b]], rows_v.at[b], gsem[b]
            )

        def out_copy(u, b, dblk):
            s = u >> 5
            tb = u & (NTB - 1)
            return pltpu.make_async_copy(
                trans_v.at[b, pl.ds(dblk * UNIT, UNIT)],
                out_hbm.at[pl.ds((s * DB + dblk) * ROWLEN + tb * UNIT, UNIT)],
                osem[b],
            )

        def transpose(b):
            def trans_block(j, carry2):
                tbase = j * 8
                scal = (tbase >> 7) * 1024 + (tbase & 127)
                for k in range(8):
                    t = tbase + k
                    a = abase + (scal + k)
                    for h in range(D // 16):
                        vals = rows_v[b, t, pl.ds(h * 16, 16)]
                        plsc.store_scatter(
                            trans_v.at[b], [a + (h * 2) * UNIT], vals
                        )
                return carry2

            lax.fori_loop(0, CT // 8, trans_block, 0)

        idx_copy(u0, 0).start()
        idx_copy(u0, 0).wait()
        gather_copy(0).start()
        idx_copy(u0 + 1, 1).start()

        def step(k, carry):
            for par in (0, 1):
                uo = k * 2 + par
                u = u0 + uo
                X, Y = par, 1 - par
                gather_copy(X).wait()

                @pl.when(uo + 1 < u_per_w)
                def _():
                    idx_copy(u + 1, Y).wait()
                    gather_copy(Y).start()

                    @pl.when(uo + 2 < u_per_w)
                    def _():
                        idx_copy(u + 2, X).start()

                @pl.when(uo >= 2)
                def _():
                    for dblk in range(DB):
                        out_copy(u - 2, X, dblk).wait()

                transpose(X)
                for dblk in range(DB):
                    out_copy(u, X, dblk).start()
            return carry

        lax.fori_loop(0, u_per_w // 2, step, 0)
        for par in (0, 1):
            u = u0 + u_per_w - 2 + par
            for dblk in range(DB):
                out_copy(u, par, dblk).wait()

    return gather_kernel


def kernel(x_T, weight_VxD):
    T, S = x_T.shape
    V, D = weight_VxD.shape
    DB = D // 8
    xt = x_T.T
    o1 = _build_gather(T, S, V, D)(weight_VxD, xt)
    o5 = o1.reshape(S, DB, T // 128, 8, 128)
    return o5.transpose(2, 4, 0, 1, 3).reshape(T, S, D)

# --- scband reference (transcript-rebuilt; emitter-appended) ---
"""Pipeline reference for scband-embedding-70712341561852 (READ-ONLY COPY).

The authoritative reference and input builder live on the scoring server;
editing this copy changes nothing except your own understanding.
"""

import jax, jax.numpy as jnp
import numpy as np

V = 1000000
D = 32

def setup_inputs(seed: int = 0) -> dict:
    key = jax.random.key(seed)
    k_idx, k_w = jax.random.split(key)
    x_T = jax.random.randint(k_idx, (16384, 26), 0, V, dtype=jnp.int64 if jax.config.jax_enable_x64 else jnp.int32).astype(jnp.int32)
    weight_VxD = jax.random.normal(k_w, (V, D), dtype=jnp.float32)
    return {"x_T": x_T, "weight_VxD": weight_VxD}

def reference(x_T, weight_VxD):
    # Faithful translation of Embedding.__call__: jnp.take(weight, idx, axis=0)
    return jnp.take(weight_VxD, x_T, axis=0)

if __name__ == "__main__":
    import jax
    _d = setup_inputs()
    print(jax.jit(kernel)(*tuple(_d.values())))

</pallas_src>

<mosaic_0001>
#map = affine_map<(d0, d1) -> (0, 0)>
#map1 = affine_map<(d0, d1) -> (0)>
module attributes {stable_mosaic.version = 14 : i64} {
  func.func @gather_kernel(%arg0: i32, %arg1: i32, %arg2: memref<1000000x32xf32, #tpu.memory_space<hbm>>, %arg3: memref<26x16384xi32, #tpu.memory_space<hbm>>, %arg4: memref<13631488xf32, #tpu.memory_space<hbm>>, %arg5: memref<2x512xi32, #tpu.memory_space<vmem>>, %arg6: memref<2x512x32xf32, #tpu.memory_space<vmem>>, %arg7: memref<2x16384xf32, #tpu.memory_space<vmem>>, %arg8: memref<!tpu.dma_semaphore, #tpu.memory_space<semaphore_mem>>, %arg9: memref<!tpu.dma_semaphore, #tpu.memory_space<semaphore_mem>>, %arg10: memref<!tpu.dma_semaphore, #tpu.memory_space<semaphore_mem>>, %arg11: memref<!tpu.dma_semaphore, #tpu.memory_space<semaphore_mem>>, %arg12: memref<!tpu.dma_semaphore, #tpu.memory_space<semaphore_mem>>, %arg13: memref<!tpu.dma_semaphore, #tpu.memory_space<semaphore_mem>>) attributes {dimension_semantics = [#tpu.dimension_semantics<core_parallel>, #tpu.dimension_semantics<subcore_parallel>], iteration_bounds = array<i64: 2, 16>, scalar_prefetch = 0 : i64, scratch_operands = 9 : i64, tpu.core_type = #tpu.core_type<sc_vector_subcore>, window_params = [{transform_indices = #map}, {transform_indices = #map}, {transform_indices = #map1}]} {
    %mul3A = arith.constant 2 : i32
    %mul3A_0 = arith.muli %arg1, %mul3A : i32
    %add3A = arith.addi %mul3A_0, %arg0 : i32
    %mul3A_1 = arith.constant 26 : i32
    %mul3A_2 = arith.muli %add3A, %mul3A_1 : i32
    %iota3A = tpu.iota {dimensions = array<i32: 0>} : vector<16xi32>
    %and3A = arith.constant 7 : i32
    %and3A_3 = vector.broadcast %and3A : i32 to vector<16xi32>
    %and3A_4 = arith.andi %iota3A, %and3A_3 : vector<16xi32>
    %mul3A_5 = arith.constant 128 : i32
    %mul3A_6 = vector.broadcast %mul3A_5 : i32 to vector<16xi32>
    %mul3A_7 = arith.muli %and3A_4, %mul3A_6 : vector<16xi32>
    %shift_right_arithmetic3A = arith.constant 3 : i32
    %shift_right_arithmetic3A_8 = vector.broadcast %shift_right_arithmetic3A : i32 to vector<16xi32>
    %shift_right_arithmetic3A_9 = arith.shrsi %iota3A, %shift_right_arithmetic3A_8 : vector<16xi32>
    %mul3A_10 = arith.constant 4096 : i32
    %mul3A_11 = vector.broadcast %mul3A_10 : i32 to vector<16xi32>
    %mul3A_12 = arith.muli %shift_right_arithmetic3A_9, %mul3A_11 : vector<16xi32>
    %add3A_13 = arith.addi %mul3A_7, %mul3A_12 : vector<16xi32>
    %shift_right_arithmetic3A_14 = arith.constant 5 : i32
    %shift_right_arithmetic3A_15 = arith.shrsi %mul3A_2, %shift_right_arithmetic3A_14 : i32
    %and3A_16 = arith.constant 31 : i32
    %and3A_17 = arith.andi %mul3A_2, %and3A_16 : i32
    %mul3A_18 = arith.constant 512 : i32
    %mul3A_19 = arith.muli %and3A_17, %mul3A_18 : i32
    %dma_start3A = arith.constant 0 : i32
    %dma_start3A_20 = arith.constant 0 : i32
    %dma_start3A_21 = tpu.memref_slice %arg5[%dma_start3A, %dma_start3A_20] : memref<2x512xi32, #tpu.memory_space<vmem>> -> memref<1x512xi32, #tpu.memory_space<vmem>>
    %dma_start3A_22 = tpu.memref_squeeze %dma_start3A_21 : memref<1x512xi32, #tpu.memory_space<vmem>> -> memref<512xi32, #tpu.memory_space<vmem>>
    %dma_start3A_23 = tpu.memref_slice %arg3[%shift_right_arithmetic3A_15, %mul3A_19] : memref<26x16384xi32, #tpu.memory_space<hbm>> -> memref<1x512xi32, #tpu.memory_space<hbm>>
    %dma_start3A_24 = tpu.memref_squeeze %dma_start3A_23 : memref<1x512xi32, #tpu.memory_space<hbm>> -> memref<512xi32, #tpu.memory_space<hbm>>
    %dma_start3A_25 = arith.constant 0 : i32
    %dma_start3A_26 = tpu.memref_slice %arg5[%dma_start3A, %dma_start3A_25] : memref<2x512xi32, #tpu.memory_space<vmem>> -> memref<1x512xi32, #tpu.memory_space<vmem>>
    %dma_start3A_27 = tpu.memref_squeeze %dma_start3A_26 : memref<1x512xi32, #tpu.memory_space<vmem>> -> memref<512xi32, #tpu.memory_space<vmem>>
    %dma_start3A_28 = tpu.memref_slice %arg3[%shift_right_arithmetic3A_15, %mul3A_19] : memref<26x16384xi32, #tpu.memory_space<hbm>> -> memref<1x512xi32, #tpu.memory_space<hbm>>
    %dma_start3A_29 = tpu.memref_squeeze %dma_start3A_28 : memref<1x512xi32, #tpu.memory_space<hbm>> -> memref<512xi32, #tpu.memory_space<hbm>>
    tpu.enqueue_dma source(%dma_start3A_29 : memref<512xi32, #tpu.memory_space<hbm>>) target(%dma_start3A_27 : memref<512xi32, #tpu.memory_space<vmem>>) target_semaphore(%arg8 : memref<!tpu.dma_semaphore, #tpu.memory_space<semaphore_mem>>)
    %shift_right_arithmetic3A_30 = arith.constant 5 : i32
    %shift_right_arithmetic3A_31 = arith.shrsi %mul3A_2, %shift_right_arithmetic3A_30 : i32
    %and3A_32 = arith.constant 31 : i32
    %and3A_33 = arith.andi %mul3A_2, %and3A_32 : i32
    %mul3A_34 = arith.constant 512 : i32
    %mul3A_35 = arith.muli %and3A_33, %mul3A_34 : i32
    %dma_wait3A = arith.constant 0 : i32
    %dma_wait3A_36 = arith.constant 0 : i32
    %dma_wait3A_37 = tpu.memref_slice %arg5[%dma_wait3A, %dma_wait3A_36] : memref<2x512xi32, #tpu.memory_space<vmem>> -> memref<1x512xi32, #tpu.memory_space<vmem>>
    %dma_wait3A_38 = tpu.memref_squeeze %dma_wait3A_37 : memref<1x512xi32, #tpu.memory_space<vmem>> -> memref<512xi32, #tpu.memory_space<vmem>>
    %dma_wait3A_39 = tpu.memref_slice %arg3[%shift_right_arithmetic3A_31, %mul3A_35] : memref<26x16384xi32, #tpu.memory_space<hbm>> -> memref<1x512xi32, #tpu.memory_space<hbm>>
    %dma_wait3A_40 = tpu.memref_squeeze %dma_wait3A_39 : memref<1x512xi32, #tpu.memory_space<hbm>> -> memref<512xi32, #tpu.memory_space<hbm>>
    %dma_wait3A_41 = arith.constant 0 : i32
    %dma_wait3A_42 = tpu.memref_slice %arg5[%dma_wait3A, %dma_wait3A_41] : memref<2x512xi32, #tpu.memory_space<vmem>> -> memref<1x512xi32, #tpu.memory_space<vmem>>
    %dma_wait3A_43 = tpu.memref_squeeze %dma_wait3A_42 : memref<1x512xi32, #tpu.memory_space<vmem>> -> memref<512xi32, #tpu.memory_space<vmem>>
    %dma_wait3A_44 = tpu.memref_slice %arg3[%shift_right_arithmetic3A_31, %mul3A_35] : memref<26x16384xi32, #tpu.memory_space<hbm>> -> memref<1x512xi32, #tpu.memory_space<hbm>>
    %dma_wait3A_45 = tpu.memref_squeeze %dma_wait3A_44 : memref<1x512xi32, #tpu.memory_space<hbm>> -> memref<512xi32, #tpu.memory_space<hbm>>
    tpu.wait_dma2 semaphore(%arg8 : memref<!tpu.dma_semaphore, #tpu.memory_space<semaphore_mem>>) src(%dma_wait3A_45 : memref<512xi32, #tpu.memory_space<hbm>>) dst(%dma_wait3A_43 : memref<512xi32, #tpu.memory_space<vmem>>)
    %dma_start3A_46 = arith.constant 0 : i32
    %dma_start3A_47 = arith.constant 0 : i32
    %dma_start3A_48 = arith.constant 0 : i32
    %dma_start3A_49 = arith.constant 0 : i32
    %dma_start3A_50 = tpu.memref_slice %arg6[%dma_start3A_47, %dma_start3A_48, %dma_start3A_49] : memref<2x512x32xf32, #tpu.memory_space<vmem>> -> memref<1x512x32xf32, #tpu.memory_space<vmem>>
    %dma_start3A_51 = tpu.memref_squeeze %dma_start3A_50 : memref<1x512x32xf32, #tpu.memory_space<vmem>> -> memref<512x32xf32, #tpu.memory_space<vmem>>
    %dma_start3A_52 = arith.constant 0 : i32
    %dma_start3A_53 = tpu.memref_slice %arg5[%dma_start3A_46, %dma_start3A_52] : memref<2x512xi32, #tpu.memory_space<vmem>> -> memref<1x512xi32, #tpu.memory_space<vmem>>
    %dma_start3A_54 = tpu.memref_squeeze %dma_start3A_53 : memref<1x512xi32, #tpu.memory_space<vmem>> -> memref<512xi32, #tpu.memory_space<vmem>>
    %dma_start3A_55 = arith.constant 0 : i32
    %dma_start3A_56 = arith.constant 0 : i32
    %dma_start3A_57 = tpu.memref_slice %arg2[%dma_start3A_55, %dma_start3A_56] : memref<1000000x32xf32, #tpu.memory_space<hbm>> -> memref<1000000x32xf32, #tpu.memory_space<hbm>>
    tpu.enqueue_indirect_dma source(%dma_start3A_57 : memref<1000000x32xf32, #tpu.memory_space<hbm>>) target(%dma_start3A_51 : memref<512x32xf32, #tpu.memory_space<vmem>>) offsets(%dma_start3A_54 : memref<512xi32, #tpu.memory_space<vmem>>) semaphore(%arg10 : memref<!tpu.dma_semaphore, #tpu.memory_space<semaphore_mem>>)
    %add3A_58 = arith.constant 1 : i32
    %add3A_59 = arith.addi %mul3A_2, %add3A_58 : i32
    %shift_right_arithmetic3A_60 = arith.constant 5 : i32
    %shift_right_arithmetic3A_61 = arith.shrsi %add3A_59, %shift_right_arithmetic3A_60 : i32
    %and3A_62 = arith.constant 31 : i32
    %and3A_63 = arith.andi %add3A_59, %and3A_62 : i32
    %mul3A_64 = arith.constant 512 : i32
    %mul3A_65 = arith.muli %and3A_63, %mul3A_64 : i32
    %dma_start3A_66 = arith.constant 1 : i32
    %dma_start3A_67 = arith.constant 0 : i32
    %dma_start3A_68 = tpu.memref_slice %arg5[%dma_start3A_66, %dma_start3A_67] : memref<2x512xi32, #tpu.memory_space<vmem>> -> memref<1x512xi32, #tpu.memory_space<vmem>>
    %dma_start3A_69 = tpu.memref_squeeze %dma_start3A_68 : memref<1x512xi32, #tpu.memory_space<vmem>> -> memref<512xi32, #tpu.memory_space<vmem>>
    %dma_start3A_70 = tpu.memref_slice %arg3[%shift_right_arithmetic3A_61, %mul3A_65] : memref<26x16384xi32, #tpu.memory_space<hbm>> -> memref<1x512xi32, #tpu.memory_space<hbm>>
    %dma_start3A_71 = tpu.memref_squeeze %dma_start3A_70 : memref<1x512xi32, #tpu.memory_space<hbm>> -> memref<512xi32, #tpu.memory_space<hbm>>
    %dma_start3A_72 = arith.constant 0 : i32
    %dma_start3A_73 = tpu.memref_slice %arg5[%dma_start3A_66, %dma_start3A_72] : memref<2x512xi32, #tpu.memory_space<vmem>> -> memref<1x512xi32, #tpu.memory_space<vmem>>
    %dma_start3A_74 = tpu.memref_squeeze %dma_start3A_73 : memref<1x512xi32, #tpu.memory_space<vmem>> -> memref<512xi32, #tpu.memory_space<vmem>>
    %dma_start3A_75 = tpu.memref_slice %arg3[%shift_right_arithmetic3A_61, %mul3A_65] : memref<26x16384xi32, #tpu.memory_space<hbm>> -> memref<1x512xi32, #tpu.memory_space<hbm>>
    %dma_start3A_76 = tpu.memref_squeeze %dma_start3A_75 : memref<1x512xi32, #tpu.memory_space<hbm>> -> memref<512xi32, #tpu.memory_space<hbm>>
    tpu.enqueue_dma source(%dma_start3A_76 : memref<512xi32, #tpu.memory_space<hbm>>) target(%dma_start3A_74 : memref<512xi32, #tpu.memory_space<vmem>>) target_semaphore(%arg9 : memref<!tpu.dma_semaphore, #tpu.memory_space<semaphore_mem>>)
    %scan3A = arith.constant 0 : i32
    %scan3A_77 = arith.constant 0 : i32
    %scan3A_78 = arith.constant 13 : i32
    %scan3A_79 = arith.addi %scan3A_77, %scan3A_78 : i32
    %scan3A_80 = arith.constant 1 : i32
    scf.for %scan3A_269 = %scan3A_77 to %scan3A_79 step %scan3A_80  : i32 {
      %mul3A_270 = arith.constant 2 : i32
      %mul3A_271 = arith.muli %scan3A_269, %mul3A_270 : i32
      %add3A_272 = arith.constant 0 : i32
      %add3A_273 = arith.addi %mul3A_271, %add3A_272 : i32
      %add3A_274 = arith.addi %mul3A_2, %add3A_273 : i32
      %dma_wait3A_275 = arith.constant 0 : i32
      %dma_wait3A_276 = arith.constant 0 : i32
      %dma_wait3A_277 = arith.constant 0 : i32
      %dma_wait3A_278 = arith.constant 0 : i32
      %dma_wait3A_279 = tpu.memref_slice %arg6[%dma_wait3A_276, %dma_wait3A_277, %dma_wait3A_278] : memref<2x512x32xf32, #tpu.memory_space<vmem>> -> memref<1x512x32xf32, #tpu.memory_space<vmem>>
      %dma_wait3A_280 = tpu.memref_squeeze %dma_wait3A_279 : memref<1x512x32xf32, #tpu.memory_space<vmem>> -> memref<512x32xf32, #tpu.memory_space<vmem>>
      %dma_wait3A_281 = arith.constant 0 : i32
      %dma_wait3A_282 = tpu.memref_slice %arg5[%dma_wait3A_275, %dma_wait3A_281] : memref<2x512xi32, #tpu.memory_space<vmem>> -> memref<1x512xi32, #tpu.memory_space<vmem>>
      %dma_wait3A_283 = tpu.memref_squeeze %dma_wait3A_282 : memref<1x512xi32, #tpu.memory_space<vmem>> -> memref<512xi32, #tpu.memory_space<vmem>>
      %dma_wait3A_284 = arith.constant 0 : i32
      %dma_wait3A_285 = arith.constant 0 : i32
      %dma_wait3A_286 = tpu.memref_slice %arg2[%dma_wait3A_284, %dma_wait3A_285] : memref<1000000x32xf32, #tpu.memory_space<hbm>> -> memref<1000000x32xf32, #tpu.memory_space<hbm>>
      tpu.wait_indirect_dma semaphore(%arg10 : memref<!tpu.dma_semaphore, #tpu.memory_space<semaphore_mem>>) src(%dma_wait3A_286 : memref<1000000x32xf32, #tpu.memory_space<hbm>>) dst(%dma_wait3A_280 : memref<512x32xf32, #tpu.memory_space<vmem>>)
      %add3A_287 = arith.constant 1 : i32
      %add3A_288 = arith.addi %add3A_273, %add3A_287 : i32
      %lt3A = arith.constant 26 : i32
      %lt3A_289 = arith.cmpi slt, %add3A_288, %lt3A : i32
      %convert_element_type3A = arith.extui %lt3A_289 : i1 to i32
      %cond3A = arith.constant 0 : i32
      %cond3A_290 = arith.cmpi ne, %convert_element_type3A, %cond3A : i32
      scf.if %cond3A_290 {
        %add3A_512 = arith.constant 1 : i32
        %add3A_513 = arith.addi %add3A_274, %add3A_512 : i32
        %shift_right_arithmetic3A_514 = arith.constant 5 : i32
        %shift_right_arithmetic3A_515 = arith.shrsi %add3A_513, %shift_right_arithmetic3A_514 : i32
        %and3A_516 = arith.constant 31 : i32
        %and3A_517 = arith.andi %add3A_513, %and3A_516 : i32
        %mul3A_518 = arith.constant 512 : i32
        %mul3A_519 = arith.muli %and3A_517, %mul3A_518 : i32
        %dma_wait3A_520 = arith.constant 1 : i32
        %dma_wait3A_521 = arith.constant 0 : i32
        %dma_wait3A_522 = tpu.memref_slice %arg5[%dma_wait3A_520, %dma_wait3A_521] : memref<2x512xi32, #tpu.memory_space<vmem>> -> memref<1x512xi32, #tpu.memory_space<vmem>>
        %dma_wait3A_523 = tpu.memref_squeeze %dma_wait3A_522 : memref<1x512xi32, #tpu.memory_space<vmem>> -> memref<512xi32, #tpu.memory_space<vmem>>
        %dma_wait3A_524 = tpu.memref_slice %arg3[%shift_right_arithmetic3A_515, %mul3A_519] : memref<26x16384xi32, #tpu.memory_space<hbm>> -> memref<1x512xi32, #tpu.memory_space<hbm>>
        %dma_wait3A_525 = tpu.memref_squeeze %dma_wait3A_524 : memref<1x512xi32, #tpu.memory_space<hbm>> -> memref<512xi32, #tpu.memory_space<hbm>>
        %dma_wait3A_526 = arith.constant 0 : i32
        %dma_wait3A_527 = tpu.memref_slice %arg5[%dma_wait3A_520, %dma_wait3A_526] : memref<2x512xi32, #tpu.memory_space<vmem>> -> memref<1x512xi32, #tpu.memory_space<vmem>>
        %dma_wait3A_528 = tpu.memref_squeeze %dma_wait3A_527 : memref<1x512xi32, #tpu.memory_space<vmem>> -> memref<512xi32, #tpu.memory_space<vmem>>
        %dma_wait3A_529 = tpu.memref_slice %arg3[%shift_right_arithmetic3A_515, %mul3A_519] : memref<26x16384xi32, #tpu.memory_space<hbm>> -> memref<1x512xi32, #tpu.memory_space<hbm>>
        %dma_wait3A_530 = tpu.memref_squeeze %dma_wait3A_529 : memref<1x512xi32, #tpu.memory_space<hbm>> -> memref<512xi32, #tpu.memory_space<hbm>>
        tpu.wait_dma2 semaphore(%arg9 : memref<!tpu.dma_semaphore, #tpu.memory_space<semaphore_mem>>) src(%dma_wait3A_530 : memref<512xi32, #tpu.memory_space<hbm>>) dst(%dma_wait3A_528 : memref<512xi32, #tpu.memory_space<vmem>>)
        %dma_start3A_531 = arith.constant 1 : i32
        %dma_start3A_532 = arith.constant 1 : i32
        %dma_start3A_533 = arith.constant 0 : i32
        %dma_start3A_534 = arith.constant 0 : i32
        %dma_start3A_535 = tpu.memref_slice %arg6[%dma_start3A_532, %dma_start3A_533, %dma_start3A_534] : memref<2x512x32xf32, #tpu.memory_space<vmem>> -> memref<1x512x32xf32, #tpu.memory_space<vmem>>
        %dma_start3A_536 = tpu.memref_squeeze %dma_start3A_535 : memref<1x512x32xf32, #tpu.memory_space<vmem>> -> memref<512x32xf32, #tpu.memory_space<vmem>>
        %dma_start3A_537 = arith.constant 0 : i32
        %dma_start3A_538 = tpu.memref_slice %arg5[%dma_start3A_531, %dma_start3A_537] : memref<2x512xi32, #tpu.memory_space<vmem>> -> memref<1x512xi32, #tpu.memory_space<vmem>>
        %dma_start3A_539 = tpu.memref_squeeze %dma_start3A_538 : memref<1x512xi32, #tpu.memory_space<vmem>> -> memref<512xi32, #tpu.memory_space<vmem>>
        %dma_start3A_540 = arith.constant 0 : i32
        %dma_start3A_541 = arith.constant 0 : i32
        %dma_start3A_542 = tpu.memref_slice %arg2[%dma_start3A_540, %dma_start3A_541] : memref<1000000x32xf32, #tpu.memory_space<hbm>> -> memref<1000000x32xf32, #tpu.memory_space<hbm>>
        tpu.enqueue_indirect_dma source(%dma_start3A_542 : memref<1000000x32xf32, #tpu.memory_space<hbm>>) target(%dma_start3A_536 : memref<512x32xf32, #tpu.memory_space<vmem>>) offsets(%dma_start3A_539 : memref<512xi32, #tpu.memory_space<vmem>>) semaphore(%arg11 : memref<!tpu.dma_semaphore, #tpu.memory_space<semaphore_mem>>)
        %add3A_543 = arith.constant 2 : i32
        %add3A_544 = arith.addi %add3A_273, %add3A_543 : i32
        %lt3A_545 = arith.constant 26 : i32
        %lt3A_546 = arith.cmpi slt, %add3A_544, %lt3A_545 : i32
        %convert_element_type3A_547 = arith.extui %lt3A_546 : i1 to i32
        %cond3A_548 = arith.constant 0 : i32
        %cond3A_549 = arith.cmpi ne, %convert_element_type3A_547, %cond3A_548 : i32
        scf.if %cond3A_549 {
          %add3A_550 = arith.constant 2 : i32
          %add3A_551 = arith.addi %add3A_274, %add3A_550 : i32
          %shift_right_arithmetic3A_552 = arith.constant 5 : i32
          %shift_right_arithmetic3A_553 = arith.shrsi %add3A_551, %shift_right_arithmetic3A_552 : i32
          %and3A_554 = arith.constant 31 : i32
          %and3A_555 = arith.andi %add3A_551, %and3A_554 : i32
          %mul3A_556 = arith.constant 512 : i32
          %mul3A_557 = arith.muli %and3A_555, %mul3A_556 : i32
          %dma_start3A_558 = arith.constant 0 : i32
          %dma_start3A_559 = arith.constant 0 : i32
          %dma_start3A_560 = tpu.memref_slice %arg5[%dma_start3A_558, %dma_start3A_559] : memref<2x512xi32, #tpu.memory_space<vmem>> -> memref<1x512xi32, #tpu.memory_space<vmem>>
          %dma_start3A_561 = tpu.memref_squeeze %dma_start3A_560 : memref<1x512xi32, #tpu.memory_space<vmem>> -> memref<512xi32, #tpu.memory_space<vmem>>
          %dma_start3A_562 = tpu.memref_slice %arg3[%shift_right_arithmetic3A_553, %mul3A_557] : memref<26x16384xi32, #tpu.memory_space<hbm>> -> memref<1x512xi32, #tpu.memory_space<hbm>>
          %dma_start3A_563 = tpu.memref_squeeze %dma_start3A_562 : memref<1x512xi32, #tpu.memory_space<hbm>> -> memref<512xi32, #tpu.memory_space<hbm>>
          %dma_start3A_564 = arith.constant 0 : i32
          %dma_start3A_565 = tpu.memref_slice %arg5[%dma_start3A_558, %dma_start3A_564] : memref<2x512xi32, #tpu.memory_space<vmem>> -> memref<1x512xi32, #tpu.memory_space<vmem>>
          %dma_start3A_566 = tpu.memref_squeeze %dma_start3A_565 : memref<1x512xi32, #tpu.memory_space<vmem>> -> memref<512xi32, #tpu.memory_space<vmem>>
          %dma_start3A_567 = tpu.memref_slice %arg3[%shift_right_arithmetic3A_553, %mul3A_557] : memref<26x16384xi32, #tpu.memory_space<hbm>> -> memref<1x512xi32, #tpu.memory_space<hbm>>
          %dma_start3A_568 = tpu.memref_squeeze %dma_start3A_567 : memref<1x512xi32, #tpu.memory_space<hbm>> -> memref<512xi32, #tpu.memory_space<hbm>>
          tpu.enqueue_dma source(%dma_start3A_568 : memref<512xi32, #tpu.memory_space<hbm>>) target(%dma_start3A_566 : memref<512xi32, #tpu.memory_space<vmem>>) target_semaphore(%arg8 : memref<!tpu.dma_semaphore, #tpu.memory_space<semaphore_mem>>)
        } else {
        }
      } else {
      }
      %ge3A = arith.constant 2 : i32
      %ge3A_291 = arith.cmpi sge, %add3A_273, %ge3A : i32
      %convert_element_type3A_292 = arith.extui %ge3A_291 : i1 to i32
      %cond3A_293 = arith.constant 0 : i32
      %cond3A_294 = arith.cmpi ne, %convert_element_type3A_292, %cond3A_293 : i32
      scf.if %cond3A_294 {
        %sub3A_512 = arith.constant 2 : i32
        %sub3A_513 = arith.subi %add3A_274, %sub3A_512 : i32
        %shift_right_arithmetic3A_514 = arith.constant 5 : i32
        %shift_right_arithmetic3A_515 = arith.shrsi %sub3A_513, %shift_right_arithmetic3A_514 : i32
        %and3A_516 = arith.constant 31 : i32
        %and3A_517 = arith.andi %sub3A_513, %and3A_516 : i32
        %mul3A_518 = arith.constant 4 : i32
        %mul3A_519 = arith.muli %shift_right_arithmetic3A_515, %mul3A_518 : i32
        %add3A_520 = arith.constant 0 : i32
        %add3A_521 = arith.addi %mul3A_519, %add3A_520 : i32
        %mul3A_522 = arith.constant 131072 : i32
        %mul3A_523 = arith.muli %add3A_521, %mul3A_522 : i32
        %mul3A_524 = arith.constant 4096 : i32
        %mul3A_525 = arith.muli %and3A_517, %mul3A_524 : i32
        %add3A_526 = arith.addi %mul3A_523, %mul3A_525 : i32
        %dma_wait3A_527 = arith.constant 0 : i32
        %dma_wait3A_528 = arith.constant 0 : i32
        %dma_wait3A_529 = tpu.memref_slice %arg7[%dma_wait3A_527, %dma_wait3A_528] : memref<2x16384xf32, #tpu.memory_space<vmem>> -> memref<1x4096xf32, #tpu.memory_space<vmem>>
        %dma_wait3A_530 = tpu.memref_squeeze %dma_wait3A_529 : memref<1x4096xf32, #tpu.memory_space<vmem>> -> memref<4096xf32, #tpu.memory_space<vmem>>
        %dma_wait3A_531 = tpu.memref_slice %arg4[%add3A_526] : memref<13631488xf32, #tpu.memory_space<hbm>> -> memref<4096xf32, #tpu.memory_space<hbm>>
        %dma_wait3A_532 = tpu.memref_slice %arg4[%add3A_526] : memref<13631488xf32, #tpu.memory_space<hbm>> -> memref<4096xf32, #tpu.memory_space<hbm>>
        %dma_wait3A_533 = arith.constant 0 : i32
        %dma_wait3A_534 = tpu.memref_slice %arg7[%dma_wait3A_527, %dma_wait3A_533] : memref<2x16384xf32, #tpu.memory_space<vmem>> -> memref<1x4096xf32, #tpu.memory_space<vmem>>
        %dma_wait3A_535 = tpu.memref_squeeze %dma_wait3A_534 : memref<1x4096xf32, #tpu.memory_space<vmem>> -> memref<4096xf32, #tpu.memory_space<vmem>>
        tpu.wait_dma2 semaphore(%arg12 : memref<!tpu.dma_semaphore, #tpu.memory_space<semaphore_mem>>) src(%dma_wait3A_535 : memref<4096xf32, #tpu.memory_space<vmem>>) dst(%dma_wait3A_532 : memref<4096xf32, #tpu.memory_space<hbm>>)
        %sub3A_536 = arith.constant 2 : i32
        %sub3A_537 = arith.subi %add3A_274, %sub3A_536 : i32
        %shift_right_arithmetic3A_538 = arith.constant 5 : i32
        %shift_right_arithmetic3A_539 = arith.shrsi %sub3A_537, %shift_right_arithmetic3A_538 : i32
        %and3A_540 = arith.constant 31 : i32
        %and3A_541 = arith.andi %sub3A_537, %and3A_540 : i32
        %mul3A_542 = arith.constant 4 : i32
        %mul3A_543 = arith.muli %shift_right_arithmetic3A_539, %mul3A_542 : i32
        %add3A_544 = arith.constant 1 : i32
        %add3A_545 = arith.addi %mul3A_543, %add3A_544 : i32
        %mul3A_546 = arith.constant 131072 : i32
        %mul3A_547 = arith.muli %add3A_545, %mul3A_546 : i32
        %mul3A_548 = arith.constant 4096 : i32
        %mul3A_549 = arith.muli %and3A_541, %mul3A_548 : i32
        %add3A_550 = arith.addi %mul3A_547, %mul3A_549 : i32
        %dma_wait3A_551 = arith.constant 0 : i32
        %dma_wait3A_552 = arith.constant 4096 : i32
        %dma_wait3A_553 = tpu.memref_slice %arg7[%dma_wait3A_551, %dma_wait3A_552] : memref<2x16384xf32, #tpu.memory_space<vmem>> -> memref<1x4096xf32, #tpu.memory_space<vmem>>
        %dma_wait3A_554 = tpu.memref_squeeze %dma_wait3A_553 : memref<1x4096xf32, #tpu.memory_space<vmem>> -> memref<4096xf32, #tpu.memory_space<vmem>>
        %dma_wait3A_555 = tpu.memref_slice %arg4[%add3A_550] : memref<13631488xf32, #tpu.memory_space<hbm>> -> memref<4096xf32, #tpu.memory_space<hbm>>
        %dma_wait3A_556 = tpu.memref_slice %arg4[%add3A_550] : memref<13631488xf32, #tpu.memory_space<hbm>> -> memref<4096xf32, #tpu.memory_space<hbm>>
        %dma_wait3A_557 = arith.constant 4096 : i32
        %dma_wait3A_558 = tpu.memref_slice %arg7[%dma_wait3A_551, %dma_wait3A_557] : memref<2x16384xf32, #tpu.memory_space<vmem>> -> memref<1x4096xf32, #tpu.memory_space<vmem>>
        %dma_wait3A_559 = tpu.memref_squeeze %dma_wait3A_558 : memref<1x4096xf32, #tpu.memory_space<vmem>> -> memref<4096xf32, #tpu.memory_space<vmem>>
        tpu.wait_dma2 semaphore(%arg12 : memref<!tpu.dma_semaphore, #tpu.memory_space<semaphore_mem>>) src(%dma_wait3A_559 : memref<4096xf32, #tpu.memory_space<vmem>>) dst(%dma_wait3A_556 : memref<4096xf32, #tpu.memory_space<hbm>>)
        %sub3A_560 = arith.constant 2 : i32
        %sub3A_561 = arith.subi %add3A_274, %sub3A_560 : i32
        %shift_right_arithmetic3A_562 = arith.constant 5 : i32
        %shift_right_arithmetic3A_563 = arith.shrsi %sub3A_561, %shift_right_arithmetic3A_562 : i32
        %and3A_564 = arith.constant 31 : i32
        %and3A_565 = arith.andi %sub3A_561, %and3A_564 : i32
        %mul3A_566 = arith.constant 4 : i32
        %mul3A_567 = arith.muli %shift_right_arithmetic3A_563, %mul3A_566 : i32
        %add3A_568 = arith.constant 2 : i32
        %add3A_569 = arith.addi %mul3A_567, %add3A_568 : i32
        %mul3A_570 = arith.constant 131072 : i32
        %mul3A_571 = arith.muli %add3A_569, %mul3A_570 : i32
        %mul3A_572 = arith.constant 4096 : i32
        %mul3A_573 = arith.muli %and3A_565, %mul3A_572 : i32
        %add3A_574 = arith.addi %mul3A_571, %mul3A_573 : i32
        %dma_wait3A_575 = arith.constant 0 : i32
        %dma_wait3A_576 = arith.constant 8192 : i32
        %dma_wait3A_577 = tpu.memref_slice %arg7[%dma_wait3A_575, %dma_wait3A_576] : memref<2x16384xf32, #tpu.memory_space<vmem>> -> memref<1x4096xf32, #tpu.memory_space<vmem>>
        %dma_wait3A_578 = tpu.memref_squeeze %dma_wait3A_577 : memref<1x4096xf32, #tpu.memory_space<vmem>> -> memref<4096xf32, #tpu.memory_space<vmem>>
        %dma_wait3A_579 = tpu.memref_slice %arg4[%add3A_574] : memref<13631488xf32, #tpu.memory_space<hbm>> -> memref<4096xf32, #tpu.memory_space<hbm>>
        %dma_wait3A_580 = tpu.memref_slice %arg4[%add3A_574] : memref<13631488xf32, #tpu.memory_space<hbm>> -> memref<4096xf32, #tpu.memory_space<hbm>>
        %dma_wait3A_581 = arith.constant 8192 : i32
        %dma_wait3A_582 = tpu.memref_slice %arg7[%dma_wait3A_575, %dma_wait3A_581] : memref<2x16384xf32, #tpu.memory_space<vmem>> -> memref<1x4096xf32, #tpu.memory_space<vmem>>
        %dma_wait3A_583 = tpu.memref_squeeze %dma_wait3A_582 : memref<1x4096xf32, #tpu.memory_space<vmem>> -> memref<4096xf32, #tpu.memory_space<vmem>>
        tpu.wait_dma2 semaphore(%arg12 : memref<!tpu.dma_semaphore, #tpu.memory_space<semaphore_mem>>) src(%dma_wait3A_583 : memref<4096xf32, #tpu.memory_space<vmem>>) dst(%dma_wait3A_580 : memref<4096xf32, #tpu.memory_space<hbm>>)
        %sub3A_584 = arith.constant 2 : i32
        %sub3A_585 = arith.subi %add3A_274, %sub3A_584 : i32
        %shift_right_arithmetic3A_586 = arith.constant 5 : i32
        %shift_right_arithmetic3A_587 = arith.shrsi %sub3A_585, %shift_right_arithmetic3A_586 : i32
        %and3A_588 = arith.constant 31 : i32
        %and3A_589 = arith.andi %sub3A_585, %and3A_588 : i32
        %mul3A_590 = arith.constant 4 : i32
        %mul3A_591 = arith.muli %shift_right_arithmetic3A_587, %mul3A_590 : i32
        %add3A_592 = arith.constant 3 : i32
        %add3A_593 = arith.addi %mul3A_591, %add3A_592 : i32
        %mul3A_594 = arith.constant 131072 : i32
        %mul3A_595 = arith.muli %add3A_593, %mul3A_594 : i32
        %mul3A_596 = arith.constant 4096 : i32
        %mul3A_597 = arith.muli %and3A_589, %mul3A_596 : i32
        %add3A_598 = arith.addi %mul3A_595, %mul3A_597 : i32
        %dma_wait3A_599 = arith.constant 0 : i32
        %dma_wait3A_600 = arith.constant 12288 : i32
        %dma_wait3A_601 = tpu.memref_slice %arg7[%dma_wait3A_599, %dma_wait3A_600] : memref<2x16384xf32, #tpu.memory_space<vmem>> -> memref<1x4096xf32, #tpu.memory_space<vmem>>
        %dma_wait3A_602 = tpu.memref_squeeze %dma_wait3A_601 : memref<1x4096xf32, #tpu.memory_space<vmem>> -> memref<4096xf32, #tpu.memory_space<vmem>>
        %dma_wait3A_603 = tpu.memref_slice %arg4[%add3A_598] : memref<13631488xf32, #tpu.memory_space<hbm>> -> memref<4096xf32, #tpu.memory_space<hbm>>
        %dma_wait3A_604 = tpu.memref_slice %arg4[%add3A_598] : memref<13631488xf32, #tpu.memory_space<hbm>> -> memref<4096xf32, #tpu.memory_space<hbm>>
        %dma_wait3A_605 = arith.constant 12288 : i32
        %dma_wait3A_606 = tpu.memref_slice %arg7[%dma_wait3A_599, %dma_wait3A_605] : memref<2x16384xf32, #tpu.memory_space<vmem>> -> memref<1x4096xf32, #tpu.memory_space<vmem>>
        %dma_wait3A_607 = tpu.memref_squeeze %dma_wait3A_606 : memref<1x4096xf32, #tpu.memory_space<vmem>> -> memref<4096xf32, #tpu.memory_space<vmem>>
        tpu.wait_dma2 semaphore(%arg12 : memref<!tpu.dma_semaphore, #tpu.memory_space<semaphore_mem>>) src(%dma_wait3A_607 : memref<4096xf32, #tpu.memory_space<vmem>>) dst(%dma_wait3A_604 : memref<4096xf32, #tpu.memory_space<hbm>>)
      } else {
      }
      %scan3A_295 = arith.constant 0 : i32
      %scan3A_296 = arith.constant 0 : i32
      %scan3A_297 = arith.constant 64 : i32
      %scan3A_298 = arith.addi %scan3A_296, %scan3A_297 : i32
      %scan3A_299 = arith.constant 1 : i32
      scf.for %scan3A_512 = %scan3A_296 to %scan3A_298 step %scan3A_299  : i32 {
        %mul3A_513 = arith.constant 8 : i32
        %mul3A_514 = arith.muli %scan3A_512, %mul3A_513 : i32
        %shift_right_arithmetic3A_515 = arith.constant 7 : i32
        %shift_right_arithmetic3A_516 = arith.shrsi %mul3A_514, %shift_right_arithmetic3A_515 : i32
        %mul3A_517 = arith.constant 1024 : i32
        %mul3A_518 = arith.muli %shift_right_arithmetic3A_516, %mul3A_517 : i32
        %and3A_519 = arith.constant 127 : i32
        %and3A_520 = arith.andi %mul3A_514, %and3A_519 : i32
        %add3A_521 = arith.addi %mul3A_518, %and3A_520 : i32
        %add3A_522 = arith.constant 0 : i32
        %add3A_523 = arith.addi %mul3A_514, %add3A_522 : i32
        %add3A_524 = arith.constant 0 : i32
        %add3A_525 = arith.addi %add3A_521, %add3A_524 : i32
        %add3A_526 = vector.broadcast %add3A_525 : i32 to vector<16xi32>
        %add3A_527 = arith.addi %add3A_13, %add3A_526 : vector<16xi32>
        %get3A = arith.constant 0 : i32
        %get3A_528 = arith.index_cast %get3A : i32 to index
        %get3A_529 = arith.index_cast %add3A_523 : i32 to index
        %get3A_530 = arith.constant 0 : index
        %get3A_531 = tpu.vector_load %arg6[%get3A_528, %get3A_529, %get3A_530] {strides = array<i32>} : memref<2x512x32xf32, #tpu.memory_space<vmem>>, vector<16xf32>,
        %add3A_532 = arith.constant 0 : i32
        %add3A_533 = vector.broadcast %add3A_532 : i32 to vector<16xi32>
        %add3A_534 = arith.addi %add3A_527, %add3A_533 : vector<16xi32>
        %scatter3A = arith.constant 0 : i32
        %scatter3A_535 = arith.constant 0 : i32
        %scatter3A_536 = tpu.memref_slice %arg7[%scatter3A, %scatter3A_535] : memref<2x16384xf32, #tpu.memory_space<vmem>> -> memref<1x16384xf32, #tpu.memory_space<vmem>>
        %scatter3A_537 = tpu.memref_squeeze %scatter3A_536 : memref<1x16384xf32, #tpu.memory_space<vmem>> -> memref<16384xf32, #tpu.memory_space<vmem>>
        tpu.vector_store_idx %scatter3A_537[%add3A_534], %get3A_531 : memref<16384xf32, #tpu.memory_space<vmem>>[vector<16xi32>], vector<16xf32>,
        %get3A_538 = arith.constant 0 : i32
        %get3A_539 = arith.index_cast %get3A_538 : i32 to index
        %get3A_540 = arith.index_cast %add3A_523 : i32 to index
        %get3A_541 = arith.constant 16 : index
        %get3A_542 = tpu.vector_load %arg6[%get3A_539, %get3A_540, %get3A_541] {strides = array<i32>} : memref<2x512x32xf32, #tpu.memory_space<vmem>>, vector<16xf32>,
        %add3A_543 = arith.constant 8192 : i32
        %add3A_544 = vector.broadcast %add3A_543 : i32 to vector<16xi32>
        %add3A_545 = arith.addi %add3A_527, %add3A_544 : vector<16xi32>
        %scatter3A_546 = arith.constant 0 : i32
        %scatter3A_547 = arith.constant 0 : i32
        %scatter3A_548 = tpu.memref_slice %arg7[%scatter3A_546, %scatter3A_547] : memref<2x16384xf32, #tpu.memory_space<vmem>> -> memref<1x16384xf32, #tpu.memory_space<vmem>>
        %scatter3A_549 = tpu.memref_squeeze %scatter3A_548 : memref<1x16384xf32, #tpu.memory_space<vmem>> -> memref<16384xf32, #tpu.memory_space<vmem>>
        tpu.vector_store_idx %scatter3A_549[%add3A_545], %get3A_542 : memref<16384xf32, #tpu.memory_space<vmem>>[vector<16xi32>], vector<16xf32>,
        %add3A_550 = arith.constant 1 : i32
        %add3A_551 = arith.addi %mul3A_514, %add3A_550 : i32
        %add3A_552 = arith.constant 1 : i32
        %add3A_553 = arith.addi %add3A_521, %add3A_552 : i32
        %add3A_554 = vector.broadcast %add3A_553 : i32 to vector<16xi32>
        %add3A_555 = arith.addi %add3A_13, %add3A_554 : vector<16xi32>
        %get3A_556 = arith.constant 0 : i32
        %get3A_557 = arith.index_cast %get3A_556 : i32 to index
        %get3A_558 = arith.index_cast %add3A_551 : i32 to index
        %get3A_559 = arith.constant 0 : index
        %get3A_560 = tpu.vector_load %arg6[%get3A_557, %get3A_558, %get3A_559] {strides = array<i32>} : memref<2x512x32xf32, #tpu.memory_space<vmem>>, vector<16xf32>,
        %add3A_561 = arith.constant 0 : i32
        %add3A_562 = vector.broadcast %add3A_561 : i32 to vector<16xi32>
        %add3A_563 = arith.addi %add3A_555, %add3A_562 : vector<16xi32>
        %scatter3A_564 = arith.constant 0 : i32
        %scatter3A_565 = arith.constant 0 : i32
        %scatter3A_566 = tpu.memref_slice %arg7[%scatter3A_564, %scatter3A_565] : memref<2x16384xf32, #tpu.memory_space<vmem>> -> memref<1x16384xf32, #tpu.memory_space<vmem>>
        %scatter3A_567 = tpu.memref_squeeze %scatter3A_566 : memref<1x16384xf32, #tpu.memory_space<vmem>> -> memref<16384xf32, #tpu.memory_space<vmem>>
        tpu.vector_store_idx %scatter3A_567[%add3A_563], %get3A_560 : memref<16384xf32, #tpu.memory_space<vmem>>[vector<16xi32>], vector<16xf32>,
        %get3A_568 = arith.constant 0 : i32
        %get3A_569 = arith.index_cast %get3A_568 : i32 to index
        %get3A_570 = arith.index_cast %add3A_551 : i32 to index
        %get3A_571 = arith.constant 16 : index
        %get3A_572 = tpu.vector_load %arg6[%get3A_569, %get3A_570, %get3A_571] {strides = array<i32>} : memref<2x512x32xf32, #tpu.memory_space<vmem>>, vector<16xf32>,
        %add3A_573 = arith.constant 8192 : i32
        %add3A_574 = vector.broadcast %add3A_573 : i32 to vector<16xi32>
        %add3A_575 = arith.addi %add3A_555, %add3A_574 : vector<16xi32>
        %scatter3A_576 = arith.constant 0 : i32
        %scatter3A_577 = arith.constant 0 : i32
        %scatter3A_578 = tpu.memref_slice %arg7[%scatter3A_576, %scatter3A_577] : memref<2x16384xf32, #tpu.memory_space<vmem>> -> memref<1x16384xf32, #tpu.memory_space<vmem>>
        %scatter3A_579 = tpu.memref_squeeze %scatter3A_578 : memref<1x16384xf32, #tpu.memory_space<vmem>> -> memref<16384xf32, #tpu.memory_space<vmem>>
        tpu.vector_store_idx %scatter3A_579[%add3A_575], %get3A_572 : memref<16384xf32, #tpu.memory_space<vmem>>[vector<16xi32>], vector<16xf32>,
        %add3A_580 = arith.constant 2 : i32
        %add3A_581 = arith.addi %mul3A_514, %add3A_580 : i32
        %add3A_582 = arith.constant 2 : i32
        %add3A_583 = arith.addi %add3A_521, %add3A_582 : i32
        %add3A_584 = vector.broadcast %add3A_583 : i32 to vector<16xi32>
        %add3A_585 = arith.addi %add3A_13, %add3A_584 : vector<16xi32>
        %get3A_586 = arith.constant 0 : i32
        %get3A_587 = arith.index_cast %get3A_586 : i32 to index
        %get3A_588 = arith.index_cast %add3A_581 : i32 to index
        %get3A_589 = arith.constant 0 : index
        %get3A_590 = tpu.vector_load %arg6[%get3A_587, %get3A_588, %get3A_589] {strides = array<i32>} : memref<2x512x32xf32, #tpu.memory_space<vmem>>, vector<16xf32>,
        %add3A_591 = arith.constant 0 : i32
        %add3A_592 = vector.broadcast %add3A_591 : i32 to vector<16xi32>
        %add3A_593 = arith.addi %add3A_585, %add3A_592 : vector<16xi32>
        %scatter3A_594 = arith.constant 0 : i32
        %scatter3A_595 = arith.constant 0 : i32
        %scatter3A_596 = tpu.memref_slice %arg7[%scatter3A_594, %scatter3A_595] : memref<2x16384xf32, #tpu.memory_space<vmem>> -> memref<1x16384xf32, #tpu.memory_space<vmem>>
        %scatter3A_597 = tpu.memref_squeeze %scatter3A_596 : memref<1x16384xf32, #tpu.memory_space<vmem>> -> memref<16384xf32, #tpu.memory_space<vmem>>
        tpu.vector_store_idx %scatter3A_597[%add3A_593], %get3A_590 : memref<16384xf32, #tpu.memory_space<vmem>>[vector<16xi32>], vector<16xf32>,
        %get3A_598 = arith.constant 0 : i32
        %get3A_599 = arith.index_cast %get3A_598 : i32 to index
        %get3A_600 = arith.index_cast %add3A_581 : i32 to index
        %get3A_601 = arith.constant 16 : index
        %get3A_602 = tpu.vector_load %arg6[%get3A_599, %get3A_600, %get3A_601] {strides = array<i32>} : memref<2x512x32xf32, #tpu.memory_space<vmem>>, vector<16xf32>,
        %add3A_603 = arith.constant 8192 : i32
        %add3A_604 = vector.broadcast %add3A_603 : i32 to vector<16xi32>
        %add3A_605 = arith.addi %add3A_585, %add3A_604 : vector<16xi32>
        %scatter3A_606 = arith.constant 0 : i32
        %scatter3A_607 = arith.constant 0 : i32
        %scatter3A_608 = tpu.memref_slice %arg7[%scatter3A_606, %scatter3A_607] : memref<2x16384xf32, #tpu.memory_space<vmem>> -> memref<1x16384xf32, #tpu.memory_space<vmem>>
        %scatter3A_609 = tpu.memref_squeeze %scatter3A_608 : memref<1x16384xf32, #tpu.memory_space<vmem>> -> memref<16384xf32, #tpu.memory_space<vmem>>
        tpu.vector_store_idx %scatter3A_609[%add3A_605], %get3A_602 : memref<16384xf32, #tpu.memory_space<vmem>>[vector<16xi32>], vector<16xf32>,
        %add3A_610 = arith.constant 3 : i32
        %add3A_611 = arith.addi %mul3A_514, %add3A_610 : i32
        %add3A_612 = arith.constant 3 : i32
        %add3A_613 = arith.addi %add3A_521, %add3A_612 : i32
        %add3A_614 = vector.broadcast %add3A_613 : i32 to vector<16xi32>
        %add3A_615 = arith.addi %add3A_13, %add3A_614 : vector<16xi32>
        %get3A_616 = arith.constant 0 : i32
        %get3A_617 = arith.index_cast %get3A_616 : i32 to index
        %get3A_618 = arith.index_cast %add3A_611 : i32 to index
        %get3A_619 = arith.constant 0 : index
        %get3A_620 = tpu.vector_load %arg6[%get3A_617, %get3A_618, %get3A_619] {strides = array<i32>} : memref<2x512x32xf32, #tpu.memory_space<vmem>>, vector<16xf32>,
        %add3A_621 = arith.constant 0 : i32
        %add3A_622 = vector.broadcast %add3A_621 : i32 to vector<16xi32>
        %add3A_623 = arith.addi %add3A_615, %add3A_622 : vector<16xi32>
        %scatter3A_624 = arith.constant 0 : i32
        %scatter3A_625 = arith.constant 0 : i32
        %scatter3A_626 = tpu.memref_slice %arg7[%scatter3A_624, %scatter3A_625] : memref<2x16384xf32, #tpu.memory_space<vmem>> -> memref<1x16384xf32, #tpu.memory_space<vmem>>
        %scatter3A_627 = tpu.memref_squeeze %scatter3A_626 : memref<1x16384xf32, #tpu.memory_space<vmem>> -> memref<16384xf32, #tpu.memory_space<vmem>>
        tpu.vector_store_idx %scatter3A_627[%add3A_623], %get3A_620 : memref<16384xf32, #tpu.memory_space<vmem>>[vector<16xi32>], vector<16xf32>,
        %get3A_628 = arith.constant 0 : i32
        %get3A_629 = arith.index_cast %get3A_628 : i32 to index
        %get3A_630 = arith.index_cast %add3A_611 : i32 to index
        %get3A_631 = arith.constant 16 : index
        %get3A_632 = tpu.vector_load %arg6[%get3A_629, %get3A_630, %get3A_631] {strides = array<i32>} : memref<2x512x32xf32, #tpu.memory_space<vmem>>, vector<16xf32>,
        %add3A_633 = arith.constant 8192 : i32
        %add3A_634 = vector.broadcast %add3A_633 : i32 to vector<16xi32>
        %add3A_635 = arith.addi %add3A_615, %add3A_634 : vector<16xi32>
        %scatter3A_636 = arith.constant 0 : i32
        %scatter3A_637 = arith.constant 0 : i32
        %scatter3A_638 = tpu.memref_slice %arg7[%scatter3A_636, %scatter3A_637] : memref<2x16384xf32, #tpu.memory_space<vmem>> -> memref<1x16384xf32, #tpu.memory_space<vmem>>
        %scatter3A_639 = tpu.memref_squeeze %scatter3A_638 : memref<1x16384xf32, #tpu.memory_space<vmem>> -> memref<16384xf32, #tpu.memory_space<vmem>>
        tpu.vector_store_idx %scatter3A_639[%add3A_635], %get3A_632 : memref<16384xf32, #tpu.memory_space<vmem>>[vector<16xi32>], vector<16xf32>,
        %add3A_640 = arith.constant 4 : i32
        %add3A_641 = arith.addi %mul3A_514, %add3A_640 : i32
        %add3A_642 = arith.constant 4 : i32
        %add3A_643 = arith.addi %add3A_521, %add3A_642 : i32
        %add3A_644 = vector.broadcast %add3A_643 : i32 to vector<16xi32>
        %add3A_645 = arith.addi %add3A_13, %add3A_644 : vector<16xi32>
        %get3A_646 = arith.constant 0 : i32
        %get3A_647 = arith.index_cast %get3A_646 : i32 to index
        %get3A_648 = arith.index_cast %add3A_641 : i32 to index
        %get3A_649 = arith.constant 0 : index
        %get3A_650 = tpu.vector_load %arg6[%get3A_647, %get3A_648, %get3A_649] {strides = array<i32>} : memref<2x512x32xf32, #tpu.memory_space<vmem>>, vector<16xf32>,
        %add3A_651 = arith.constant 0 : i32
        %add3A_652 = vector.broadcast %add3A_651 : i32 to vector<16xi32>
        %add3A_653 = arith.addi %add3A_645, %add3A_652 : vector<16xi32>
        %scatter3A_654 = arith.constant 0 : i32
        %scatter3A_655 = arith.constant 0 : i32
        %scatter3A_656 = tpu.memref_slice %arg7[%scatter3A_654, %scatter3A_655] : memref<2x16384xf32, #tpu.memory_space<vmem>> -> memref<1x16384xf32, #tpu.memory_space<vmem>>
        %scatter3A_657 = tpu.memref_squeeze %scatter3A_656 : memref<1x16384xf32, #tpu.memory_space<vmem>> -> memref<16384xf32, #tpu.memory_space<vmem>>
        tpu.vector_store_idx %scatter3A_657[%add3A_653], %get3A_650 : memref<16384xf32, #tpu.memory_space<vmem>>[vector<16xi32>], vector<16xf32>,
        %get3A_658 = arith.constant 0 : i32
        %get3A_659 = arith.index_cast %get3A_658 : i32 to index
        %get3A_660 = arith.index_cast %add3A_641 : i32 to index
        %get3A_661 = arith.constant 16 : index
        %get3A_662 = tpu.vector_load %arg6[%get3A_659, %get3A_660, %get3A_661] {strides = array<i32>} : memref<2x512x32xf32, #tpu.memory_space<vmem>>, vector<16xf32>,
        %add3A_663 = arith.constant 8192 : i32
        %add3A_664 = vector.broadcast %add3A_663 : i32 to vector<16xi32>
        %add3A_665 = arith.addi %add3A_645, %add3A_664 : vector<16xi32>
        %scatter3A_666 = arith.constant 0 : i32
        %scatter3A_667 = arith.constant 0 : i32
        %scatter3A_668 = tpu.memref_slice %arg7[%scatter3A_666, %scatter3A_667] : memref<2x16384xf32, #tpu.memory_space<vmem>> -> memref<1x16384xf32, #tpu.memory_space<vmem>>
        %scatter3A_669 = tpu.memref_squeeze %scatter3A_668 : memref<1x16384xf32, #tpu.memory_space<vmem>> -> memref<16384xf32, #tpu.memory_space<vmem>>
        tpu.vector_store_idx %scatter3A_669[%add3A_665], %get3A_662 : memref<16384xf32, #tpu.memory_space<vmem>>[vector<16xi32>], vector<16xf32>,
        %add3A_670 = arith.constant 5 : i32
        %add3A_671 = arith.addi %mul3A_514, %add3A_670 : i32
        %add3A_672 = arith.constant 5 : i32
        %add3A_673 = arith.addi %add3A_521, %add3A_672 : i32
        %add3A_674 = vector.broadcast %add3A_673 : i32 to vector<16xi32>
        %add3A_675 = arith.addi %add3A_13, %add3A_674 : vector<16xi32>
        %get3A_676 = arith.constant 0 : i32
        %get3A_677 = arith.index_cast %get3A_676 : i32 to index
        %get3A_678 = arith.index_cast %add3A_671 : i32 to index
        %get3A_679 = arith.constant 0 : index
        %get3A_680 = tpu.vector_load %arg6[%get3A_677, %get3A_678, %get3A_679] {strides = array<i32>} : memref<2x512x32xf32, #tpu.memory_space<vmem>>, vector<16xf32>,
        %add3A_681 = arith.constant 0 : i32
        %add3A_682 = vector.broadcast %add3A_681 : i32 to vector<16xi32>
        %add3A_683 = arith.addi %add3A_675, %add3A_682 : vector<16xi32>
        %scatter3A_684 = arith.constant 0 : i32
        %scatter3A_685 = arith.constant 0 : i32
        %scatter3A_686 = tpu.memref_slice %arg7[%scatter3A_684, %scatter3A_685] : memref<2x16384xf32, #tpu.memory_space<vmem>> -> memref<1x16384xf32, #tpu.memory_space<vmem>>
        %scatter3A_687 = tpu.memref_squeeze %scatter3A_686 : memref<1x16384xf32, #tpu.memory_space<vmem>> -> memref<16384xf32, #tpu.memory_space<vmem>>
        tpu.vector_store_idx %scatter3A_687[%add3A_683], %get3A_680 : memref<16384xf32, #tpu.memory_space<vmem>>[vector<16xi32>], vector<16xf32>,
        %get3A_688 = arith.constant 0 : i32
        %get3A_689 = arith.index_cast %get3A_688 : i32 to index
        %get3A_690 = arith.index_cast %add3A_671 : i32 to index
        %get3A_691 = arith.constant 16 : index
        %get3A_692 = tpu.vector_load %arg6[%get3A_689, %get3A_690, %get3A_691] {strides = array<i32>} : memref<2x512x32xf32, #tpu.memory_space<vmem>>, vector<16xf32>,
        %add3A_693 = arith.constant 8192 : i32
        %add3A_694 = vector.broadcast %add3A_693 : i32 to vector<16xi32>
        %add3A_695 = arith.addi %add3A_675, %add3A_694 : vector<16xi32>
        %scatter3A_696 = arith.constant 0 : i32
        %scatter3A_697 = arith.constant 0 : i32
        %scatter3A_698 = tpu.memref_slice %arg7[%scatter3A_696, %scatter3A_697] : memref<2x16384xf32, #tpu.memory_space<vmem>> -> memref<1x16384xf32, #tpu.memory_space<vmem>>
        %scatter3A_699 = tpu.memref_squeeze %scatter3A_698 : memref<1x16384xf32, #tpu.memory_space<vmem>> -> memref<16384xf32, #tpu.memory_space<vmem>>
        tpu.vector_store_idx %scatter3A_699[%add3A_695], %get3A_692 : memref<16384xf32, #tpu.memory_space<vmem>>[vector<16xi32>], vector<16xf32>,
        %add3A_700 = arith.constant 6 : i32
        %add3A_701 = arith.addi %mul3A_514, %add3A_700 : i32
        %add3A_702 = arith.constant 6 : i32
        %add3A_703 = arith.addi %add3A_521, %add3A_702 : i32
        %add3A_704 = vector.broadcast %add3A_703 : i32 to vector<16xi32>
        %add3A_705 = arith.addi %add3A_13, %add3A_704 : vector<16xi32>
        %get3A_706 = arith.constant 0 : i32
        %get3A_707 = arith.index_cast %get3A_706 : i32 to index
        %get3A_708 = arith.index_cast %add3A_701 : i32 to index
        %get3A_709 = arith.constant 0 : index
        %get3A_710 = tpu.vector_load %arg6[%get3A_707, %get3A_708, %get3A_709] {strides = array<i32>} : memref<2x512x32xf32, #tpu.memory_space<vmem>>, vector<16xf32>,
        %add3A_711 = arith.constant 0 : i32
        %add3A_712 = vector.broadcast %add3A_711 : i32 to vector<16xi32>
        %add3A_713 = arith.addi %add3A_705, %add3A_712 : vector<16xi32>
        %scatter3A_714 = arith.constant 0 : i32
        %scatter3A_715 = arith.constant 0 : i32
        %scatter3A_716 = tpu.memref_slice %arg7[%scatter3A_714, %scatter3A_715] : memref<2x16384xf32, #tpu.memory_space<vmem>> -> memref<1x16384xf32, #tpu.memory_space<vmem>>
        %scatter3A_717 = tpu.memref_squeeze %scatter3A_716 : memref<1x16384xf32, #tpu.memory_space<vmem>> -> memref<16384xf32, #tpu.memory_space<vmem>>
        tpu.vector_store_idx %scatter3A_717[%add3A_713], %get3A_710 : memref<16384xf32, #tpu.memory_space<vmem>>[vector<16xi32>], vector<16xf32>,
        %get3A_718 = arith.constant 0 : i32
        %get3A_719 = arith.index_cast %get3A_718 : i32 to index
        %get3A_720 = arith.index_cast %add3A_701 : i32 to index
        %get3A_721 = arith.constant 16 : index
        %get3A_722 = tpu.vector_load %arg6[%get3A_719, %get3A_720, %get3A_721] {strides = array<i32>} : memref<2x512x32xf32, #tpu.memory_space<vmem>>, vector<16xf32>,
        %add3A_723 = arith.constant 8192 : i32
        %add3A_724 = vector.broadcast %add3A_723 : i32 to vector<16xi32>
        %add3A_725 = arith.addi %add3A_705, %add3A_724 : vector<16xi32>
        %scatter3A_726 = arith.constant 0 : i32
        %scatter3A_727 = arith.constant 0 : i32
        %scatter3A_728 = tpu.memref_slice %arg7[%scatter3A_726, %scatter3A_727] : memref<2x16384xf32, #tpu.memory_space<vmem>> -> memref<1x16384xf32, #tpu.memory_space<vmem>>
        %scatter3A_729 = tpu.memref_squeeze %scatter3A_728 : memref<1x16384xf32, #tpu.memory_space<vmem>> -> memref<16384xf32, #tpu.memory_space<vmem>>
        tpu.vector_store_idx %scatter3A_729[%add3A_725], %get3A_722 : memref<16384xf32, #tpu.memory_space<vmem>>[vector<16xi32>], vector<16xf32>,
        %add3A_730 = arith.constant 7 : i32
        %add3A_731 = arith.addi %mul3A_514, %add3A_730 : i32
        %add3A_732 = arith.constant 7 : i32
        %add3A_733 = arith.addi %add3A_521, %add3A_732 : i32
        %add3A_734 = vector.broadcast %add3A_733 : i32 to vector<16xi32>
        %add3A_735 = arith.addi %add3A_13, %add3A_734 : vector<16xi32>
        %get3A_736 = arith.constant 0 : i32
        %get3A_737 = arith.index_cast %get3A_736 : i32 to index
        %get3A_738 = arith.index_cast %add3A_731 : i32 to index
        %get3A_739 = arith.constant 0 : index
        %get3A_740 = tpu.vector_load %arg6[%get3A_737, %get3A_738, %get3A_739] {strides = array<i32>} : memref<2x512x32xf32, #tpu.memory_space<vmem>>, vector<16xf32>,
        %add3A_741 = arith.constant 0 : i32
        %add3A_742 = vector.broadcast %add3A_741 : i32 to vector<16xi32>
        %add3A_743 = arith.addi %add3A_735, %add3A_742 : vector<16xi32>
        %scatter3A_744 = arith.constant 0 : i32
        %scatter3A_745 = arith.constant 0 : i32
        %scatter3A_746 = tpu.memref_slice %arg7[%scatter3A_744, %scatter3A_745] : memref<2x16384xf32, #tpu.memory_space<vmem>> -> memref<1x16384xf32, #tpu.memory_space<vmem>>
        %scatter3A_747 = tpu.memref_squeeze %scatter3A_746 : memref<1x16384xf32, #tpu.memory_space<vmem>> -> memref<16384xf32, #tpu.memory_space<vmem>>
        tpu.vector_store_idx %scatter3A_747[%add3A_743], %get3A_740 : memref<16384xf32, #tpu.memory_space<vmem>>[vector<16xi32>], vector<16xf32>,
        %get3A_748 = arith.constant 0 : i32
        %get3A_749 = arith.index_cast %get3A_748 : i32 to index
        %get3A_750 = arith.index_cast %add3A_731 : i32 to index
        %get3A_751 = arith.constant 16 : index
        %get3A_752 = tpu.vector_load %arg6[%get3A_749, %get3A_750, %get3A_751] {strides = array<i32>} : memref<2x512x32xf32, #tpu.memory_space<vmem>>, vector<16xf32>,
        %add3A_753 = arith.constant 8192 : i32
        %add3A_754 = vector.broadcast %add3A_753 : i32 to vector<16xi32>
        %add3A_755 = arith.addi %add3A_735, %add3A_754 : vector<16xi32>
        %scatter3A_756 = arith.constant 0 : i32
        %scatter3A_757 = arith.constant 0 : i32
        %scatter3A_758 = tpu.memref_slice %arg7[%scatter3A_756, %scatter3A_757] : memref<2x16384xf32, #tpu.memory_space<vmem>> -> memref<1x16384xf32, #tpu.memory_space<vmem>>
        %scatter3A_759 = tpu.memref_squeeze %scatter3A_758 : memref<1x16384xf32, #tpu.memory_space<vmem>> -> memref<16384xf32, #tpu.memory_space<vmem>>
        tpu.vector_store_idx %scatter3A_759[%add3A_755], %get3A_752 : memref<16384xf32, #tpu.memory_space<vmem>>[vector<16xi32>], vector<16xf32>,
      }
      %scan3A_300 = arith.constant 64 : i32
      %shift_right_arithmetic3A_301 = arith.constant 5 : i32
      %shift_right_arithmetic3A_302 = arith.shrsi %add3A_274, %shift_right_arithmetic3A_301 : i32
      %and3A_303 = arith.constant 31 : i32
      %and3A_304 = arith.andi %add3A_274, %and3A_303 : i32
      %mul3A_305 = arith.constant 4 : i32
      %mul3A_306 = arith.muli %shift_right_arithmetic3A_302, %mul3A_305 : i32
      %add3A_307 = arith.constant 0 : i32
      %add3A_308 = arith.addi %mul3A_306, %add3A_307 : i32
      %mul3A_309 = arith.constant 131072 : i32
      %mul3A_310 = arith.muli %add3A_308, %mul3A_309 : i32
      %mul3A_311 = arith.constant 4096 : i32
      %mul3A_312 = arith.muli %and3A_304, %mul3A_311 : i32
      %add3A_313 = arith.addi %mul3A_310, %mul3A_312 : i32
      %dma_start3A_314 = arith.constant 0 : i32
      %dma_start3A_315 = arith.constant 0 : i32
      %dma_start3A_316 = tpu.memref_slice %arg7[%dma_start3A_314, %dma_start3A_315] : memref<2x16384xf32, #tpu.memory_space<vmem>> -> memref<1x4096xf32, #tpu.memory_space<vmem>>
      %dma_start3A_317 = tpu.memref_squeeze %dma_start3A_316 : memref<1x4096xf32, #tpu.memory_space<vmem>> -> memref<4096xf32, #tpu.memory_space<vmem>>
      %dma_start3A_318 = tpu.memref_slice %arg4[%add3A_313] : memref<13631488xf32, #tpu.memory_space<hbm>> -> memref<4096xf32, #tpu.memory_space<hbm>>
      %dma_start3A_319 = tpu.memref_slice %arg4[%add3A_313] : memref<13631488xf32, #tpu.memory_space<hbm>> -> memref<4096xf32, #tpu.memory_space<hbm>>
      %dma_start3A_320 = arith.constant 0 : i32
      %dma_start3A_321 = tpu.memref_slice %arg7[%dma_start3A_314, %dma_start3A_320] : memref<2x16384xf32, #tpu.memory_space<vmem>> -> memref<1x4096xf32, #tpu.memory_space<vmem>>
      %dma_start3A_322 = tpu.memref_squeeze %dma_start3A_321 : memref<1x4096xf32, #tpu.memory_space<vmem>> -> memref<4096xf32, #tpu.memory_space<vmem>>
      tpu.enqueue_dma source(%dma_start3A_322 : memref<4096xf32, #tpu.memory_space<vmem>>) target(%dma_start3A_319 : memref<4096xf32, #tpu.memory_space<hbm>>) target_semaphore(%arg12 : memref<!tpu.dma_semaphore, #tpu.memory_space<semaphore_mem>>)
      %shift_right_arithmetic3A_323 = arith.constant 5 : i32
      %shift_right_arithmetic3A_324 = arith.shrsi %add3A_274, %shift_right_arithmetic3A_323 : i32
      %and3A_325 = arith.constant 31 : i32
      %and3A_326 = arith.andi %add3A_274, %and3A_325 : i32
      %mul3A_327 = arith.constant 4 : i32
      %mul3A_328 = arith.muli %shift_right_arithmetic3A_324, %mul3A_327 : i32
      %add3A_329 = arith.constant 1 : i32
      %add3A_330 = arith.addi %mul3A_328, %add3A_329 : i32
      %mul3A_331 = arith.constant 131072 : i32
      %mul3A_332 = arith.muli %add3A_330, %mul3A_331 : i32
      %mul3A_333 = arith.constant 4096 : i32
      %mul3A_334 = arith.muli %and3A_326, %mul3A_333 : i32
      %add3A_335 = arith.addi %mul3A_332, %mul3A_334 : i32
      %dma_start3A_336 = arith.constant 0 : i32
      %dma_start3A_337 = arith.constant 4096 : i32
      %dma_start3A_338 = tpu.memref_slice %arg7[%dma_start3A_336, %dma_start3A_337] : memref<2x16384xf32, #tpu.memory_space<vmem>> -> memref<1x4096xf32, #tpu.memory_space<vmem>>
      %dma_start3A_339 = tpu.memref_squeeze %dma_start3A_338 : memref<1x4096xf32, #tpu.memory_space<vmem>> -> memref<4096xf32, #tpu.memory_space<vmem>>
      %dma_start3A_340 = tpu.memref_slice %arg4[%add3A_335] : memref<13631488xf32, #tpu.memory_space<hbm>> -> memref<4096xf32, #tpu.memory_space<hbm>>
      %dma_start3A_341 = tpu.memref_slice %arg4[%add3A_335] : memref<13631488xf32, #tpu.memory_space<hbm>> -> memref<4096xf32, #tpu.memory_space<hbm>>
      %dma_start3A_342 = arith.constant 4096 : i32
      %dma_start3A_343 = tpu.memref_slice %arg7[%dma_start3A_336, %dma_start3A_342] : memref<2x16384xf32, #tpu.memory_space<vmem>> -> memref<1x4096xf32, #tpu.memory_space<vmem>>
      %dma_start3A_344 = tpu.memref_squeeze %dma_start3A_343 : memref<1x4096xf32, #tpu.memory_space<vmem>> -> memref<4096xf32, #tpu.memory_space<vmem>>
      tpu.enqueue_dma source(%dma_start3A_344 : memref<4096xf32, #tpu.memory_space<vmem>>) target(%dma_start3A_341 : memref<4096xf32, #tpu.memory_space<hbm>>) target_semaphore(%arg12 : memref<!tpu.dma_semaphore, #tpu.memory_space<semaphore_mem>>)
      %shift_right_arithmetic3A_345 = arith.constant 5 : i32
      %shift_right_arithmetic3A_346 = arith.shrsi %add3A_274, %shift_right_arithmetic3A_345 : i32
      %and3A_347 = arith.constant 31 : i32
      %and3A_348 = arith.andi %add3A_274, %and3A_347 : i32
      %mul3A_349 = arith.constant 4 : i32
      %mul3A_350 = arith.muli %shift_right_arithmetic3A_346, %mul3A_349 : i32
      %add3A_351 = arith.constant 2 : i32
      %add3A_352 = arith.addi %mul3A_350, %add3A_351 : i32
      %mul3A_353 = arith.constant 131072 : i32
      %mul3A_354 = arith.muli %add3A_352, %mul3A_353 : i32
      %mul3A_355 = arith.constant 4096 : i32
      %mul3A_356 = arith.muli %and3A_348, %mul3A_355 : i32
      %add3A_357 = arith.addi %mul3A_354, %mul3A_356 : i32
      %dma_start3A_358 = arith.constant 0 : i32
      %dma_start3A_359 = arith.constant 8192 : i32
      %dma_start3A_360 = tpu.memref_slice %arg7[%dma_start3A_358, %dma_start3A_359] : memref<2x16384xf32, #tpu.memory_space<vmem>> -> memref<1x4096xf32, #tpu.memory_space<vmem>>
      %dma_start3A_361 = tpu.memref_squeeze %dma_start3A_360 : memref<1x4096xf32, #tpu.memory_space<vmem>> -> memref<4096xf32, #tpu.memory_space<vmem>>
      %dma_start3A_362 = tpu.memref_slice %arg4[%add3A_357] : memref<13631488xf32, #tpu.memory_space<hbm>> -> memref<4096xf32, #tpu.memory_space<hbm>>
      %dma_start3A_363 = tpu.memref_slice %arg4[%add3A_357] : memref<13631488xf32, #tpu.memory_space<hbm>> -> memref<4096xf32, #tpu.memory_space<hbm>>
      %dma_start3A_364 = arith.constant 8192 : i32
      %dma_start3A_365 = tpu.memref_slice %arg7[%dma_start3A_358, %dma_start3A_364] : memref<2x16384xf32, #tpu.memory_space<vmem>> -> memref<1x4096xf32, #tpu.memory_space<vmem>>
      %dma_start3A_366 = tpu.memref_squeeze %dma_start3A_365 : memref<1x4096xf32, #tpu.memory_space<vmem>> -> memref<4096xf32, #tpu.memory_space<vmem>>
      tpu.enqueue_dma source(%dma_start3A_366 : memref<4096xf32, #tpu.memory_space<vmem>>) target(%dma_start3A_363 : memref<4096xf32, #tpu.memory_space<hbm>>) target_semaphore(%arg12 : memref<!tpu.dma_semaphore, #tpu.memory_space<semaphore_mem>>)
      %shift_right_arithmetic3A_367 = arith.constant 5 : i32
      %shift_right_arithmetic3A_368 = arith.shrsi %add3A_274, %shift_right_arithmetic3A_367 : i32
      %and3A_369 = arith.constant 31 : i32
      %and3A_370 = arith.andi %add3A_274, %and3A_369 : i32
      %mul3A_371 = arith.constant 4 : i32
      %mul3A_372 = arith.muli %shift_right_arithmetic3A_368, %mul3A_371 : i32
      %add3A_373 = arith.constant 3 : i32
      %add3A_374 = arith.addi %mul3A_372, %add3A_373 : i32
      %mul3A_375 = arith.constant 131072 : i32
      %mul3A_376 = arith.muli %add3A_374, %mul3A_375 : i32
      %mul3A_377 = arith.constant 4096 : i32
      %mul3A_378 = arith.muli %and3A_370, %mul3A_377 : i32
      %add3A_379 = arith.addi %mul3A_376, %mul3A_378 : i32
      %dma_start3A_380 = arith.constant 0 : i32
      %dma_start3A_381 = arith.constant 12288 : i32
      %dma_start3A_382 = tpu.memref_slice %arg7[%dma_start3A_380, %dma_start3A_381] : memref<2x16384xf32, #tpu.memory_space<vmem>> -> memref<1x4096xf32, #tpu.memory_space<vmem>>
      %dma_start3A_383 = tpu.memref_squeeze %dma_start3A_382 : memref<1x4096xf32, #tpu.memory_space<vmem>> -> memref<4096xf32, #tpu.memory_space<vmem>>
      %dma_start3A_384 = tpu.memref_slice %arg4[%add3A_379] : memref<13631488xf32, #tpu.memory_space<hbm>> -> memref<4096xf32, #tpu.memory_space<hbm>>
      %dma_start3A_385 = tpu.memref_slice %arg4[%add3A_379] : memref<13631488xf32, #tpu.memory_space<hbm>> -> memref<4096xf32, #tpu.memory_space<hbm>>
      %dma_start3A_386 = arith.constant 12288 : i32
      %dma_start3A_387 = tpu.memref_slice %arg7[%dma_start3A_380, %dma_start3A_386] : memref<2x16384xf32, #tpu.memory_space<vmem>> -> memref<1x4096xf32, #tpu.memory_space<vmem>>
      %dma_start3A_388 = tpu.memref_squeeze %dma_start3A_387 : memref<1x4096xf32, #tpu.memory_space<vmem>> -> memref<4096xf32, #tpu.memory_space<vmem>>
      tpu.enqueue_dma source(%dma_start3A_388 : memref<4096xf32, #tpu.memory_space<vmem>>) target(%dma_start3A_385 : memref<4096xf32, #tpu.memory_space<hbm>>) target_semaphore(%arg12 : memref<!tpu.dma_semaphore, #tpu.memory_space<semaphore_mem>>)
      %mul3A_389 = arith.constant 2 : i32
      %mul3A_390 = arith.muli %scan3A_269, %mul3A_389 : i32
      %add3A_391 = arith.constant 1 : i32
      %add3A_392 = arith.addi %mul3A_390, %add3A_391 : i32
      %add3A_393 = arith.addi %mul3A_2, %add3A_392 : i32
      %dma_wait3A_394 = arith.constant 1 : i32
      %dma_wait3A_395 = arith.constant 1 : i32
      %dma_wait3A_396 = arith.constant 0 : i32
      %dma_wait3A_397 = arith.constant 0 : i32
      %dma_wait3A_398 = tpu.memref_slice %arg6[%dma_wait3A_395, %dma_wait3A_396, %dma_wait3A_397] : memref<2x512x32xf32, #tpu.memory_space<vmem>> -> memref<1x512x32xf32, #tpu.memory_space<vmem>>
      %dma_wait3A_399 = tpu.memref_squeeze %dma_wait3A_398 : memref<1x512x32xf32, #tpu.memory_space<vmem>> -> memref<512x32xf32, #tpu.memory_space<vmem>>
      %dma_wait3A_400 = arith.constant 0 : i32
      %dma_wait3A_401 = tpu.memref_slice %arg5[%dma_wait3A_394, %dma_wait3A_400] : memref<2x512xi32, #tpu.memory_space<vmem>> -> memref<1x512xi32, #tpu.memory_space<vmem>>
      %dma_wait3A_402 = tpu.memref_squeeze %dma_wait3A_401 : memref<1x512xi32, #tpu.memory_space<vmem>> -> memref<512xi32, #tpu.memory_space<vmem>>
      %dma_wait3A_403 = arith.constant 0 : i32
      %dma_wait3A_404 = arith.constant 0 : i32
      %dma_wait3A_405 = tpu.memref_slice %arg2[%dma_wait3A_403, %dma_wait3A_404] : memref<1000000x32xf32, #tpu.memory_space<hbm>> -> memref<1000000x32xf32, #tpu.memory_space<hbm>>
      tpu.wait_indirect_dma semaphore(%arg11 : memref<!tpu.dma_semaphore, #tpu.memory_space<semaphore_mem>>) src(%dma_wait3A_405 : memref<1000000x32xf32, #tpu.memory_space<hbm>>) dst(%dma_wait3A_399 : memref<512x32xf32, #tpu.memory_space<vmem>>)
      %add3A_406 = arith.constant 1 : i32
      %add3A_407 = arith.addi %add3A_392, %add3A_406 : i32
      %lt3A_408 = arith.constant 26 : i32
      %lt3A_409 = arith.cmpi slt, %add3A_407, %lt3A_408 : i32
      %convert_element_type3A_410 = arith.extui %lt3A_409 : i1 to i32
      %cond3A_411 = arith.constant 0 : i32
      %cond3A_412 = arith.cmpi ne, %convert_element_type3A_410, %cond3A_411 : i32
      scf.if %cond3A_412 {
        %add3A_512 = arith.constant 1 : i32
        %add3A_513 = arith.addi %add3A_393, %add3A_512 : i32
        %shift_right_arithmetic3A_514 = arith.constant 5 : i32
        %shift_right_arithmetic3A_515 = arith.shrsi %add3A_513, %shift_right_arithmetic3A_514 : i32
        %and3A_516 = arith.constant 31 : i32
        %and3A_517 = arith.andi %add3A_513, %and3A_516 : i32
        %mul3A_518 = arith.constant 512 : i32
        %mul3A_519 = arith.muli %and3A_517, %mul3A_518 : i32
        %dma_wait3A_520 = arith.constant 0 : i32
        %dma_wait3A_521 = arith.constant 0 : i32
        %dma_wait3A_522 = tpu.memref_slice %arg5[%dma_wait3A_520, %dma_wait3A_521] : memref<2x512xi32, #tpu.memory_space<vmem>> -> memref<1x512xi32, #tpu.memory_space<vmem>>
        %dma_wait3A_523 = tpu.memref_squeeze %dma_wait3A_522 : memref<1x512xi32, #tpu.memory_space<vmem>> -> memref<512xi32, #tpu.memory_space<vmem>>
        %dma_wait3A_524 = tpu.memref_slice %arg3[%shift_right_arithmetic3A_515, %mul3A_519] : memref<26x16384xi32, #tpu.memory_space<hbm>> -> memref<1x512xi32, #tpu.memory_space<hbm>>
        %dma_wait3A_525 = tpu.memref_squeeze %dma_wait3A_524 : memref<1x512xi32, #tpu.memory_space<hbm>> -> memref<512xi32, #tpu.memory_space<hbm>>
        %dma_wait3A_526 = arith.constant 0 : i32
        %dma_wait3A_527 = tpu.memref_slice %arg5[%dma_wait3A_520, %dma_wait3A_526] : memref<2x512xi32, #tpu.memory_space<vmem>> -> memref<1x512xi32, #tpu.memory_space<vmem>>
        %dma_wait3A_528 = tpu.memref_squeeze %dma_wait3A_527 : memref<1x512xi32, #tpu.memory_space<vmem>> -> memref<512xi32, #tpu.memory_space<vmem>>
        %dma_wait3A_529 = tpu.memref_slice %arg3[%shift_right_arithmetic3A_515, %mul3A_519] : memref<26x16384xi32, #tpu.memory_space<hbm>> -> memref<1x512xi32, #tpu.memory_space<hbm>>
        %dma_wait3A_530 = tpu.memref_squeeze %dma_wait3A_529 : memref<1x512xi32, #tpu.memory_space<hbm>> -> memref<512xi32, #tpu.memory_space<hbm>>
        tpu.wait_dma2 semaphore(%arg8 : memref<!tpu.dma_semaphore, #tpu.memory_space<semaphore_mem>>) src(%dma_wait3A_530 : memref<512xi32, #tpu.memory_space<hbm>>) dst(%dma_wait3A_528 : memref<512xi32, #tpu.memory_space<vmem>>)
        %dma_start3A_531 = arith.constant 0 : i32
        %dma_start3A_532 = arith.constant 0 : i32
        %dma_start3A_533 = arith.constant 0 : i32
        %dma_start3A_534 = arith.constant 0 : i32
        %dma_start3A_535 = tpu.memref_slice %arg6[%dma_start3A_532, %dma_start3A_533, %dma_start3A_534] : memref<2x512x32xf32, #tpu.memory_space<vmem>> -> memref<1x512x32xf32, #tpu.memory_space<vmem>>
        %dma_start3A_536 = tpu.memref_squeeze %dma_start3A_535 : memref<1x512x32xf32, #tpu.memory_space<vmem>> -> memref<512x32xf32, #tpu.memory_space<vmem>>
        %dma_start3A_537 = arith.constant 0 : i32
        %dma_start3A_538 = tpu.memref_slice %arg5[%dma_start3A_531, %dma_start3A_537] : memref<2x512xi32, #tpu.memory_space<vmem>> -> memref<1x512xi32, #tpu.memory_space<vmem>>
        %dma_start3A_539 = tpu.memref_squeeze %dma_start3A_538 : memref<1x512xi32, #tpu.memory_space<vmem>> -> memref<512xi32, #tpu.memory_space<vmem>>
        %dma_start3A_540 = arith.constant 0 : i32
        %dma_start3A_541 = arith.constant 0 : i32
        %dma_start3A_542 = tpu.memref_slice %arg2[%dma_start3A_540, %dma_start3A_541] : memref<1000000x32xf32, #tpu.memory_space<hbm>> -> memref<1000000x32xf32, #tpu.memory_space<hbm>>
        tpu.enqueue_indirect_dma source(%dma_start3A_542 : memref<1000000x32xf32, #tpu.memory_space<hbm>>) target(%dma_start3A_536 : memref<512x32xf32, #tpu.memory_space<vmem>>) offsets(%dma_start3A_539 : memref<512xi32, #tpu.memory_space<vmem>>) semaphore(%arg10 : memref<!tpu.dma_semaphore, #tpu.memory_space<semaphore_mem>>)
        %add3A_543 = arith.constant 2 : i32
        %add3A_544 = arith.addi %add3A_392, %add3A_543 : i32
        %lt3A_545 = arith.constant 26 : i32
        %lt3A_546 = arith.cmpi slt, %add3A_544, %lt3A_545 : i32
        %convert_element_type3A_547 = arith.extui %lt3A_546 : i1 to i32
        %cond3A_548 = arith.constant 0 : i32
        %cond3A_549 = arith.cmpi ne, %convert_element_type3A_547, %cond3A_548 : i32
        scf.if %cond3A_549 {
          %add3A_550 = arith.constant 2 : i32
          %add3A_551 = arith.addi %add3A_393, %add3A_550 : i32
          %shift_right_arithmetic3A_552 = arith.constant 5 : i32
          %shift_right_arithmetic3A_553 = arith.shrsi %add3A_551, %shift_right_arithmetic3A_552 : i32
          %and3A_554 = arith.constant 31 : i32
          %and3A_555 = arith.andi %add3A_551, %and3A_554 : i32
          %mul3A_556 = arith.constant 512 : i32
          %mul3A_557 = arith.muli %and3A_555, %mul3A_556 : i32
          %dma_start3A_558 = arith.constant 1 : i32
          %dma_start3A_559 = arith.constant 0 : i32
          %dma_start3A_560 = tpu.memref_slice %arg5[%dma_start3A_558, %dma_start3A_559] : memref<2x512xi32, #tpu.memory_space<vmem>> -> memref<1x512xi32, #tpu.memory_space<vmem>>
          %dma_start3A_561 = tpu.memref_squeeze %dma_start3A_560 : memref<1x512xi32, #tpu.memory_space<vmem>> -> memref<512xi32, #tpu.memory_space<vmem>>
          %dma_start3A_562 = tpu.memref_slice %arg3[%shift_right_arithmetic3A_553, %mul3A_557] : memref<26x16384xi32, #tpu.memory_space<hbm>> -> memref<1x512xi32, #tpu.memory_space<hbm>>
          %dma_start3A_563 = tpu.memref_squeeze %dma_start3A_562 : memref<1x512xi32, #tpu.memory_space<hbm>> -> memref<512xi32, #tpu.memory_space<hbm>>
          %dma_start3A_564 = arith.constant 0 : i32
          %dma_start3A_565 = tpu.memref_slice %arg5[%dma_start3A_558, %dma_start3A_564] : memref<2x512xi32, #tpu.memory_space<vmem>> -> memref<1x512xi32, #tpu.memory_space<vmem>>
          %dma_start3A_566 = tpu.memref_squeeze %dma_start3A_565 : memref<1x512xi32, #tpu.memory_space<vmem>> -> memref<512xi32, #tpu.memory_space<vmem>>
          %dma_start3A_567 = tpu.memref_slice %arg3[%shift_right_arithmetic3A_553, %mul3A_557] : memref<26x16384xi32, #tpu.memory_space<hbm>> -> memref<1x512xi32, #tpu.memory_space<hbm>>
          %dma_start3A_568 = tpu.memref_squeeze %dma_start3A_567 : memref<1x512xi32, #tpu.memory_space<hbm>> -> memref<512xi32, #tpu.memory_space<hbm>>
          tpu.enqueue_dma source(%dma_start3A_568 : memref<512xi32, #tpu.memory_space<hbm>>) target(%dma_start3A_566 : memref<512xi32, #tpu.memory_space<vmem>>) target_semaphore(%arg9 : memref<!tpu.dma_semaphore, #tpu.memory_space<semaphore_mem>>)
        } else {
        }
      } else {
      }
      %ge3A_413 = arith.constant 2 : i32
      %ge3A_414 = arith.cmpi sge, %add3A_392, %ge3A_413 : i32
      %convert_element_type3A_415 = arith.extui %ge3A_414 : i1 to i32
      %cond3A_416 = arith.constant 0 : i32
      %cond3A_417 = arith.cmpi ne, %convert_element_type3A_415, %cond3A_416 : i32
      scf.if %cond3A_417 {
        %sub3A_512 = arith.constant 2 : i32
        %sub3A_513 = arith.subi %add3A_393, %sub3A_512 : i32
        %shift_right_arithmetic3A_514 = arith.constant 5 : i32
        %shift_right_arithmetic3A_515 = arith.shrsi %sub3A_513, %shift_right_arithmetic3A_514 : i32
        %and3A_516 = arith.constant 31 : i32
        %and3A_517 = arith.andi %sub3A_513, %and3A_516 : i32
        %mul3A_518 = arith.constant 4 : i32
        %mul3A_519 = arith.muli %shift_right_arithmetic3A_515, %mul3A_518 : i32
        %add3A_520 = arith.constant 0 : i32
        %add3A_521 = arith.addi %mul3A_519, %add3A_520 : i32
        %mul3A_522 = arith.constant 131072 : i32
        %mul3A_523 = arith.muli %add3A_521, %mul3A_522 : i32
        %mul3A_524 = arith.constant 4096 : i32
        %mul3A_525 = arith.muli %and3A_517, %mul3A_524 : i32
        %add3A_526 = arith.addi %mul3A_523, %mul3A_525 : i32
        %dma_wait3A_527 = arith.constant 1 : i32
        %dma_wait3A_528 = arith.constant 0 : i32
        %dma_wait3A_529 = tpu.memref_slice %arg7[%dma_wait3A_527, %dma_wait3A_528] : memref<2x16384xf32, #tpu.memory_space<vmem>> -> memref<1x4096xf32, #tpu.memory_space<vmem>>
        %dma_wait3A_530 = tpu.memref_squeeze %dma_wait3A_529 : memref<1x4096xf32, #tpu.memory_space<vmem>> -> memref<4096xf32, #tpu.memory_space<vmem>>
        %dma_wait3A_531 = tpu.memref_slice %arg4[%add3A_526] : memref<13631488xf32, #tpu.memory_space<hbm>> -> memref<4096xf32, #tpu.memory_space<hbm>>
        %dma_wait3A_532 = tpu.memref_slice %arg4[%add3A_526] : memref<13631488xf32, #tpu.memory_space<hbm>> -> memref<4096xf32, #tpu.memory_space<hbm>>
        %dma_wait3A_533 = arith.constant 0 : i32
        %dma_wait3A_534 = tpu.memref_slice %arg7[%dma_wait3A_527, %dma_wait3A_533] : memref<2x16384xf32, #tpu.memory_space<vmem>> -> memref<1x4096xf32, #tpu.memory_space<vmem>>
        %dma_wait3A_535 = tpu.memref_squeeze %dma_wait3A_534 : memref<1x4096xf32, #tpu.memory_space<vmem>> -> memref<4096xf32, #tpu.memory_space<vmem>>
        tpu.wait_dma2 semaphore(%arg13 : memref<!tpu.dma_semaphore, #tpu.memory_space<semaphore_mem>>) src(%dma_wait3A_535 : memref<4096xf32, #tpu.memory_space<vmem>>) dst(%dma_wait3A_532 : memref<4096xf32, #tpu.memory_space<hbm>>)
        %sub3A_536 = arith.constant 2 : i32
        %sub3A_537 = arith.subi %add3A_393, %sub3A_536 : i32
        %shift_right_arithmetic3A_538 = arith.constant 5 : i32
        %shift_right_arithmetic3A_539 = arith.shrsi %sub3A_537, %shift_right_arithmetic3A_538 : i32
        %and3A_540 = arith.constant 31 : i32
        %and3A_541 = arith.andi %sub3A_537, %and3A_540 : i32
        %mul3A_542 = arith.constant 4 : i32
        %mul3A_543 = arith.muli %shift_right_arithmetic3A_539, %mul3A_542 : i32
        %add3A_544 = arith.constant 1 : i32
        %add3A_545 = arith.addi %mul3A_543, %add3A_544 : i32
        %mul3A_546 = arith.constant 131072 : i32
        %mul3A_547 = arith.muli %add3A_545, %mul3A_546 : i32
        %mul3A_548 = arith.constant 4096 : i32
        %mul3A_549 = arith.muli %and3A_541, %mul3A_548 : i32
        %add3A_550 = arith.addi %mul3A_547, %mul3A_549 : i32
        %dma_wait3A_551 = arith.constant 1 : i32
        %dma_wait3A_552 = arith.constant 4096 : i32
        %dma_wait3A_553 = tpu.memref_slice %arg7[%dma_wait3A_551, %dma_wait3A_552] : memref<2x16384xf32, #tpu.memory_space<vmem>> -> memref<1x4096xf32, #tpu.memory_space<vmem>>
        %dma_wait3A_554 = tpu.memref_squeeze %dma_wait3A_553 : memref<1x4096xf32, #tpu.memory_space<vmem>> -> memref<4096xf32, #tpu.memory_space<vmem>>
        %dma_wait3A_555 = tpu.memref_slice %arg4[%add3A_550] : memref<13631488xf32, #tpu.memory_space<hbm>> -> memref<4096xf32, #tpu.memory_space<hbm>>
        %dma_wait3A_556 = tpu.memref_slice %arg4[%add3A_550] : memref<13631488xf32, #tpu.memory_space<hbm>> -> memref<4096xf32, #tpu.memory_space<hbm>>
        %dma_wait3A_557 = arith.constant 4096 : i32
        %dma_wait3A_558 = tpu.memref_slice %arg7[%dma_wait3A_551, %dma_wait3A_557] : memref<2x16384xf32, #tpu.memory_space<vmem>> -> memref<1x4096xf32, #tpu.memory_space<vmem>>
        %dma_wait3A_559 = tpu.memref_squeeze %dma_wait3A_558 : memref<1x4096xf32, #tpu.memory_space<vmem>> -> memref<4096xf32, #tpu.memory_space<vmem>>
        tpu.wait_dma2 semaphore(%arg13 : memref<!tpu.dma_semaphore, #tpu.memory_space<semaphore_mem>>) src(%dma_wait3A_559 : memref<4096xf32, #tpu.memory_space<vmem>>) dst(%dma_wait3A_556 : memref<4096xf32, #tpu.memory_space<hbm>>)
        %sub3A_560 = arith.constant 2 : i32
        %sub3A_561 = arith.subi %add3A_393, %sub3A_560 : i32
        %shift_right_arithmetic3A_562 = arith.constant 5 : i32
        %shift_right_arithmetic3A_563 = arith.shrsi %sub3A_561, %shift_right_arithmetic3A_562 : i32
        %and3A_564 = arith.constant 31 : i32
        %and3A_565 = arith.andi %sub3A_561, %and3A_564 : i32
        %mul3A_566 = arith.constant 4 : i32
        %mul3A_567 = arith.muli %shift_right_arithmetic3A_563, %mul3A_566 : i32
        %add3A_568 = arith.constant 2 : i32
        %add3A_569 = arith.addi %mul3A_567, %add3A_568 : i32
        %mul3A_570 = arith.constant 131072 : i32
        %mul3A_571 = arith.muli %add3A_569, %mul3A_570 : i32
        %mul3A_572 = arith.constant 4096 : i32
        %mul3A_573 = arith.muli %and3A_565, %mul3A_572 : i32
        %add3A_574 = arith.addi %mul3A_571, %mul3A_573 : i32
        %dma_wait3A_575 = arith.constant 1 : i32
        %dma_wait3A_576 = arith.constant 8192 : i32
        %dma_wait3A_577 = tpu.memref_slice %arg7[%dma_wait3A_575, %dma_wait3A_576] : memref<2x16384xf32, #tpu.memory_space<vmem>> -> memref<1x4096xf32, #tpu.memory_space<vmem>>
        %dma_wait3A_578 = tpu.memref_squeeze %dma_wait3A_577 : memref<1x4096xf32, #tpu.memory_space<vmem>> -> memref<4096xf32, #tpu.memory_space<vmem>>
        %dma_wait3A_579 = tpu.memref_slice %arg4[%add3A_574] : memref<13631488xf32, #tpu.memory_space<hbm>> -> memref<4096xf32, #tpu.memory_space<hbm>>
        %dma_wait3A_580 = tpu.memref_slice %arg4[%add3A_574] : memref<13631488xf32, #tpu.memory_space<hbm>> -> memref<4096xf32, #tpu.memory_space<hbm>>
        %dma_wait3A_581 = arith.constant 8192 : i32
        %dma_wait3A_582 = tpu.memref_slice %arg7[%dma_wait3A_575, %dma_wait3A_581] : memref<2x16384xf32, #tpu.memory_space<vmem>> -> memref<1x4096xf32, #tpu.memory_space<vmem>>
        %dma_wait3A_583 = tpu.memref_squeeze %dma_wait3A_582 : memref<1x4096xf32, #tpu.memory_space<vmem>> -> memref<4096xf32, #tpu.memory_space<vmem>>
        tpu.wait_dma2 semaphore(%arg13 : memref<!tpu.dma_semaphore, #tpu.memory_space<semaphore_mem>>) src(%dma_wait3A_583 : memref<4096xf32, #tpu.memory_space<vmem>>) dst(%dma_wait3A_580 : memref<4096xf32, #tpu.memory_space<hbm>>)
        %sub3A_584 = arith.constant 2 : i32
        %sub3A_585 = arith.subi %add3A_393, %sub3A_584 : i32
        %shift_right_arithmetic3A_586 = arith.constant 5 : i32
        %shift_right_arithmetic3A_587 = arith.shrsi %sub3A_585, %shift_right_arithmetic3A_586 : i32
        %and3A_588 = arith.constant 31 : i32
        %and3A_589 = arith.andi %sub3A_585, %and3A_588 : i32
        %mul3A_590 = arith.constant 4 : i32
        %mul3A_591 = arith.muli %shift_right_arithmetic3A_587, %mul3A_590 : i32
        %add3A_592 = arith.constant 3 : i32
        %add3A_593 = arith.addi %mul3A_591, %add3A_592 : i32
        %mul3A_594 = arith.constant 131072 : i32
        %mul3A_595 = arith.muli %add3A_593, %mul3A_594 : i32
        %mul3A_596 = arith.constant 4096 : i32
        %mul3A_597 = arith.muli %and3A_589, %mul3A_596 : i32
        %add3A_598 = arith.addi %mul3A_595, %mul3A_597 : i32
        %dma_wait3A_599 = arith.constant 1 : i32
        %dma_wait3A_600 = arith.constant 12288 : i32
        %dma_wait3A_601 = tpu.memref_slice %arg7[%dma_wait3A_599, %dma_wait3A_600] : memref<2x16384xf32, #tpu.memory_space<vmem>> -> memref<1x4096xf32, #tpu.memory_space<vmem>>
        %dma_wait3A_602 = tpu.memref_squeeze %dma_wait3A_601 : memref<1x4096xf32, #tpu.memory_space<vmem>> -> memref<4096xf32, #tpu.memory_space<vmem>>
        %dma_wait3A_603 = tpu.memref_slice %arg4[%add3A_598] : memref<13631488xf32, #tpu.memory_space<hbm>> -> memref<4096xf32, #tpu.memory_space<hbm>>
        %dma_wait3A_604 = tpu.memref_slice %arg4[%add3A_598] : memref<13631488xf32, #tpu.memory_space<hbm>> -> memref<4096xf32, #tpu.memory_space<hbm>>
        %dma_wait3A_605 = arith.constant 12288 : i32
        %dma_wait3A_606 = tpu.memref_slice %arg7[%dma_wait3A_599, %dma_wait3A_605] : memref<2x16384xf32, #tpu.memory_space<vmem>> -> memref<1x4096xf32, #tpu.memory_space<vmem>>
        %dma_wait3A_607 = tpu.memref_squeeze %dma_wait3A_606 : memref<1x4096xf32, #tpu.memory_space<vmem>> -> memref<4096xf32, #tpu.memory_space<vmem>>
        tpu.wait_dma2 semaphore(%arg13 : memref<!tpu.dma_semaphore, #tpu.memory_space<semaphore_mem>>) src(%dma_wait3A_607 : memref<4096xf32, #tpu.memory_space<vmem>>) dst(%dma_wait3A_604 : memref<4096xf32, #tpu.memory_space<hbm>>)
      } else {
      }
      %scan3A_418 = arith.constant 0 : i32
      %scan3A_419 = arith.constant 0 : i32
      %scan3A_420 = arith.constant 64 : i32
      %scan3A_421 = arith.addi %scan3A_419, %scan3A_420 : i32
      %scan3A_422 = arith.constant 1 : i32
      scf.for %scan3A_512 = %scan3A_419 to %scan3A_421 step %scan3A_422  : i32 {
        %mul3A_513 = arith.constant 8 : i32
        %mul3A_514 = arith.muli %scan3A_512, %mul3A_513 : i32
        %shift_right_arithmetic3A_515 = arith.constant 7 : i32
        %shift_right_arithmetic3A_516 = arith.shrsi %mul3A_514, %shift_right_arithmetic3A_515 : i32
        %mul3A_517 = arith.constant 1024 : i32
        %mul3A_518 = arith.muli %shift_right_arithmetic3A_516, %mul3A_517 : i32
        %and3A_519 = arith.constant 127 : i32
        %and3A_520 = arith.andi %mul3A_514, %and3A_519 : i32
        %add3A_521 = arith.addi %mul3A_518, %and3A_520 : i32
        %add3A_522 = arith.constant 0 : i32
        %add3A_523 = arith.addi %mul3A_514, %add3A_522 : i32
        %add3A_524 = arith.constant 0 : i32
        %add3A_525 = arith.addi %add3A_521, %add3A_524 : i32
        %add3A_526 = vector.broadcast %add3A_525 : i32 to vector<16xi32>
        %add3A_527 = arith.addi %add3A_13, %add3A_526 : vector<16xi32>
        %get3A = arith.constant 1 : i32
        %get3A_528 = arith.index_cast %get3A : i32 to index
        %get3A_529 = arith.index_cast %add3A_523 : i32 to index
        %get3A_530 = arith.constant 0 : index
        %get3A_531 = tpu.vector_load %arg6[%get3A_528, %get3A_529, %get3A_530] {strides = array<i32>} : memref<2x512x32xf32, #tpu.memory_space<vmem>>, vector<16xf32>,
        %add3A_532 = arith.constant 0 : i32
        %add3A_533 = vector.broadcast %add3A_532 : i32 to vector<16xi32>
        %add3A_534 = arith.addi %add3A_527, %add3A_533 : vector<16xi32>
        %scatter3A = arith.constant 1 : i32
        %scatter3A_535 = arith.constant 0 : i32
        %scatter3A_536 = tpu.memref_slice %arg7[%scatter3A, %scatter3A_535] : memref<2x16384xf32, #tpu.memory_space<vmem>> -> memref<1x16384xf32, #tpu.memory_space<vmem>>
        %scatter3A_537 = tpu.memref_squeeze %scatter3A_536 : memref<1x16384xf32, #tpu.memory_space<vmem>> -> memref<16384xf32, #tpu.memory_space<vmem>>
        tpu.vector_store_idx %scatter3A_537[%add3A_534], %get3A_531 : memref<16384xf32, #tpu.memory_space<vmem>>[vector<16xi32>], vector<16xf32>,
        %get3A_538 = arith.constant 1 : i32
        %get3A_539 = arith.index_cast %get3A_538 : i32 to index
        %get3A_540 = arith.index_cast %add3A_523 : i32 to index
        %get3A_541 = arith.constant 16 : index
        %get3A_542 = tpu.vector_load %arg6[%get3A_539, %get3A_540, %get3A_541] {strides = array<i32>} : memref<2x512x32xf32, #tpu.memory_space<vmem>>, vector<16xf32>,
        %add3A_543 = arith.constant 8192 : i32
        %add3A_544 = vector.broadcast %add3A_543 : i32 to vector<16xi32>
        %add3A_545 = arith.addi %add3A_527, %add3A_544 : vector<16xi32>
        %scatter3A_546 = arith.constant 1 : i32
        %scatter3A_547 = arith.constant 0 : i32
        %scatter3A_548 = tpu.memref_slice %arg7[%scatter3A_546, %scatter3A_547] : memref<2x16384xf32, #tpu.memory_space<vmem>> -> memref<1x16384xf32, #tpu.memory_space<vmem>>
        %scatter3A_549 = tpu.memref_squeeze %scatter3A_548 : memref<1x16384xf32, #tpu.memory_space<vmem>> -> memref<16384xf32, #tpu.memory_space<vmem>>
        tpu.vector_store_idx %scatter3A_549[%add3A_545], %get3A_542 : memref<16384xf32, #tpu.memory_space<vmem>>[vector<16xi32>], vector<16xf32>,
        %add3A_550 = arith.constant 1 : i32
        %add3A_551 = arith.addi %mul3A_514, %add3A_550 : i32
        %add3A_552 = arith.constant 1 : i32
        %add3A_553 = arith.addi %add3A_521, %add3A_552 : i32
        %add3A_554 = vector.broadcast %add3A_553 : i32 to vector<16xi32>
        %add3A_555 = arith.addi %add3A_13, %add3A_554 : vector<16xi32>
        %get3A_556 = arith.constant 1 : i32
        %get3A_557 = arith.index_cast %get3A_556 : i32 to index
        %get3A_558 = arith.index_cast %add3A_551 : i32 to index
        %get3A_559 = arith.constant 0 : index
        %get3A_560 = tpu.vector_load %arg6[%get3A_557, %get3A_558, %get3A_559] {strides = array<i32>} : memref<2x512x32xf32, #tpu.memory_space<vmem>>, vector<16xf32>,
        %add3A_561 = arith.constant 0 : i32
        %add3A_562 = vector.broadcast %add3A_561 : i32 to vector<16xi32>
        %add3A_563 = arith.addi %add3A_555, %add3A_562 : vector<16xi32>
        %scatter3A_564 = arith.constant 1 : i32
        %scatter3A_565 = arith.constant 0 : i32
        %scatter3A_566 = tpu.memref_slice %arg7[%scatter3A_564, %scatter3A_565] : memref<2x16384xf32, #tpu.memory_space<vmem>> -> memref<1x16384xf32, #tpu.memory_space<vmem>>
        %scatter3A_567 = tpu.memref_squeeze %scatter3A_566 : memref<1x16384xf32, #tpu.memory_space<vmem>> -> memref<16384xf32, #tpu.memory_space<vmem>>
        tpu.vector_store_idx %scatter3A_567[%add3A_563], %get3A_560 : memref<16384xf32, #tpu.memory_space<vmem>>[vector<16xi32>], vector<16xf32>,
        %get3A_568 = arith.constant 1 : i32
        %get3A_569 = arith.index_cast %get3A_568 : i32 to index
        %get3A_570 = arith.index_cast %add3A_551 : i32 to index
        %get3A_571 = arith.constant 16 : index
        %get3A_572 = tpu.vector_load %arg6[%get3A_569, %get3A_570, %get3A_571] {strides = array<i32>} : memref<2x512x32xf32, #tpu.memory_space<vmem>>, vector<16xf32>,
        %add3A_573 = arith.constant 8192 : i32
        %add3A_574 = vector.broadcast %add3A_573 : i32 to vector<16xi32>
        %add3A_575 = arith.addi %add3A_555, %add3A_574 : vector<16xi32>
        %scatter3A_576 = arith.constant 1 : i32
        %scatter3A_577 = arith.constant 0 : i32
        %scatter3A_578 = tpu.memref_slice %arg7[%scatter3A_576, %scatter3A_577] : memref<2x16384xf32, #tpu.memory_space<vmem>> -> memref<1x16384xf32, #tpu.memory_space<vmem>>
        %scatter3A_579 = tpu.memref_squeeze %scatter3A_578 : memref<1x16384xf32, #tpu.memory_space<vmem>> -> memref<16384xf32, #tpu.memory_space<vmem>>
        tpu.vector_store_idx %scatter3A_579[%add3A_575], %get3A_572 : memref<16384xf32, #tpu.memory_space<vmem>>[vector<16xi32>], vector<16xf32>,
        %add3A_580 = arith.constant 2 : i32
        %add3A_581 = arith.addi %mul3A_514, %add3A_580 : i32
        %add3A_582 = arith.constant 2 : i32
        %add3A_583 = arith.addi %add3A_521, %add3A_582 : i32
        %add3A_584 = vector.broadcast %add3A_583 : i32 to vector<16xi32>
        %add3A_585 = arith.addi %add3A_13, %add3A_584 : vector<16xi32>
        %get3A_586 = arith.constant 1 : i32
        %get3A_587 = arith.index_cast %get3A_586 : i32 to index
        %get3A_588 = arith.index_cast %add3A_581 : i32 to index
        %get3A_589 = arith.constant 0 : index
        %get3A_590 = tpu.vector_load %arg6[%get3A_587, %get3A_588, %get3A_589] {strides = array<i32>} : memref<2x512x32xf32, #tpu.memory_space<vmem>>, vector<16xf32>,
        %add3A_591 = arith.constant 0 : i32
        %add3A_592 = vector.broadcast %add3A_591 : i32 to vector<16xi32>
        %add3A_593 = arith.addi %add3A_585, %add3A_592 : vector<16xi32>
        %scatter3A_594 = arith.constant 1 : i32
        %scatter3A_595 = arith.constant 0 : i32
        %scatter3A_596 = tpu.memref_slice %arg7[%scatter3A_594, %scatter3A_595] : memref<2x16384xf32, #tpu.memory_space<vmem>> -> memref<1x16384xf32, #tpu.memory_space<vmem>>
        %scatter3A_597 = tpu.memref_squeeze %scatter3A_596 : memref<1x16384xf32, #tpu.memory_space<vmem>> -> memref<16384xf32, #tpu.memory_space<vmem>>
        tpu.vector_store_idx %scatter3A_597[%add3A_593], %get3A_590 : memref<16384xf32, #tpu.memory_space<vmem>>[vector<16xi32>], vector<16xf32>,
        %get3A_598 = arith.constant 1 : i32
        %get3A_599 = arith.index_cast %get3A_598 : i32 to index
        %get3A_600 = arith.index_cast %add3A_581 : i32 to index
        %get3A_601 = arith.constant 16 : index
        %get3A_602 = tpu.vector_load %arg6[%get3A_599, %get3A_600, %get3A_601] {strides = array<i32>} : memref<2x512x32xf32, #tpu.memory_space<vmem>>, vector<16xf32>,
        %add3A_603 = arith.constant 8192 : i32
        %add3A_604 = vector.broadcast %add3A_603 : i32 to vector<16xi32>
        %add3A_605 = arith.addi %add3A_585, %add3A_604 : vector<16xi32>
        %scatter3A_606 = arith.constant 1 : i32
        %scatter3A_607 = arith.constant 0 : i32
        %scatter3A_608 = tpu.memref_slice %arg7[%scatter3A_606, %scatter3A_607] : memref<2x16384xf32, #tpu.memory_space<vmem>> -> memref<1x16384xf32, #tpu.memory_space<vmem>>
        %scatter3A_609 = tpu.memref_squeeze %scatter3A_608 : memref<1x16384xf32, #tpu.memory_space<vmem>> -> memref<16384xf32, #tpu.memory_space<vmem>>
        tpu.vector_store_idx %scatter3A_609[%add3A_605], %get3A_602 : memref<16384xf32, #tpu.memory_space<vmem>>[vector<16xi32>], vector<16xf32>,
        %add3A_610 = arith.constant 3 : i32
        %add3A_611 = arith.addi %mul3A_514, %add3A_610 : i32
        %add3A_612 = arith.constant 3 : i32
        %add3A_613 = arith.addi %add3A_521, %add3A_612 : i32
        %add3A_614 = vector.broadcast %add3A_613 : i32 to vector<16xi32>
        %add3A_615 = arith.addi %add3A_13, %add3A_614 : vector<16xi32>
        %get3A_616 = arith.constant 1 : i32
        %get3A_617 = arith.index_cast %get3A_616 : i32 to index
        %get3A_618 = arith.index_cast %add3A_611 : i32 to index
        %get3A_619 = arith.constant 0 : index
        %get3A_620 = tpu.vector_load %arg6[%get3A_617, %get3A_618, %get3A_619] {strides = array<i32>} : memref<2x512x32xf32, #tpu.memory_space<vmem>>, vector<16xf32>,
        %add3A_621 = arith.constant 0 : i32
        %add3A_622 = vector.broadcast %add3A_621 : i32 to vector<16xi32>
        %add3A_623 = arith.addi %add3A_615, %add3A_622 : vector<16xi32>
        %scatter3A_624 = arith.constant 1 : i32
        %scatter3A_625 = arith.constant 0 : i32
        %scatter3A_626 = tpu.memref_slice %arg7[%scatter3A_624, %scatter3A_625] : memref<2x16384xf32, #tpu.memory_space<vmem>> -> memref<1x16384xf32, #tpu.memory_space<vmem>>
        %scatter3A_627 = tpu.memref_squeeze %scatter3A_626 : memref<1x16384xf32, #tpu.memory_space<vmem>> -> memref<16384xf32, #tpu.memory_space<vmem>>
        tpu.vector_store_idx %scatter3A_627[%add3A_623], %get3A_620 : memref<16384xf32, #tpu.memory_space<vmem>>[vector<16xi32>], vector<16xf32>,
        %get3A_628 = arith.constant 1 : i32
        %get3A_629 = arith.index_cast %get3A_628 : i32 to index
        %get3A_630 = arith.index_cast %add3A_611 : i32 to index
        %get3A_631 = arith.constant 16 : index
        %get3A_632 = tpu.vector_load %arg6[%get3A_629, %get3A_630, %get3A_631] {strides = array<i32>} : memref<2x512x32xf32, #tpu.memory_space<vmem>>, vector<16xf32>,
        %add3A_633 = arith.constant 8192 : i32
        %add3A_634 = vector.broadcast %add3A_633 : i32 to vector<16xi32>
        %add3A_635 = arith.addi %add3A_615, %add3A_634 : vector<16xi32>
        %scatter3A_636 = arith.constant 1 : i32
        %scatter3A_637 = arith.constant 0 : i32
        %scatter3A_638 = tpu.memref_slice %arg7[%scatter3A_636, %scatter3A_637] : memref<2x16384xf32, #tpu.memory_space<vmem>> -> memref<1x16384xf32, #tpu.memory_space<vmem>>
        %scatter3A_639 = tpu.memref_squeeze %scatter3A_638 : memref<1x16384xf32, #tpu.memory_space<vmem>> -> memref<16384xf32, #tpu.memory_space<vmem>>
        tpu.vector_store_idx %scatter3A_639[%add3A_635], %get3A_632 : memref<16384xf32, #tpu.memory_space<vmem>>[vector<16xi32>], vector<16xf32>,
        %add3A_640 = arith.constant 4 : i32
        %add3A_641 = arith.addi %mul3A_514, %add3A_640 : i32
        %add3A_642 = arith.constant 4 : i32
        %add3A_643 = arith.addi %add3A_521, %add3A_642 : i32
        %add3A_644 = vector.broadcast %add3A_643 : i32 to vector<16xi32>
        %add3A_645 = arith.addi %add3A_13, %add3A_644 : vector<16xi32>
        %get3A_646 = arith.constant 1 : i32
        %get3A_647 = arith.index_cast %get3A_646 : i32 to index
        %get3A_648 = arith.index_cast %add3A_641 : i32 to index
        %get3A_649 = arith.constant 0 : index
        %get3A_650 = tpu.vector_load %arg6[%get3A_647, %get3A_648, %get3A_649] {strides = array<i32>} : memref<2x512x32xf32, #tpu.memory_space<vmem>>, vector<16xf32>,
        %add3A_651 = arith.constant 0 : i32
        %add3A_652 = vector.broadcast %add3A_651 : i32 to vector<16xi32>
        %add3A_653 = arith.addi %add3A_645, %add3A_652 : vector<16xi32>
        %scatter3A_654 = arith.constant 1 : i32
        %scatter3A_655 = arith.constant 0 : i32
        %scatter3A_656 = tpu.memref_slice %arg7[%scatter3A_654, %scatter3A_655] : memref<2x16384xf32, #tpu.memory_space<vmem>> -> memref<1x16384xf32, #tpu.memory_space<vmem>>
        %scatter3A_657 = tpu.memref_squeeze %scatter3A_656 : memref<1x16384xf32, #tpu.memory_space<vmem>> -> memref<16384xf32, #tpu.memory_space<vmem>>
        tpu.vector_store_idx %scatter3A_657[%add3A_653], %get3A_650 : memref<16384xf32, #tpu.memory_space<vmem>>[vector<16xi32>], vector<16xf32>,
        %get3A_658 = arith.constant 1 : i32
        %get3A_659 = arith.index_cast %get3A_658 : i32 to index
        %get3A_660 = arith.index_cast %add3A_641 : i32 to index
        %get3A_661 = arith.constant 16 : index
        %get3A_662 = tpu.vector_load %arg6[%get3A_659, %get3A_660, %get3A_661] {strides = array<i32>} : memref<2x512x32xf32, #tpu.memory_space<vmem>>, vector<16xf32>,
        %add3A_663 = arith.constant 8192 : i32
        %add3A_664 = vector.broadcast %add3A_663 : i32 to vector<16xi32>
        %add3A_665 = arith.addi %add3A_645, %add3A_664 : vector<16xi32>
        %scatter3A_666 = arith.constant 1 : i32
        %scatter3A_667 = arith.constant 0 : i32
        %scatter3A_668 = tpu.memref_slice %arg7[%scatter3A_666, %scatter3A_667] : memref<2x16384xf32, #tpu.memory_space<vmem>> -> memref<1x16384xf32, #tpu.memory_space<vmem>>
        %scatter3A_669 = tpu.memref_squeeze %scatter3A_668 : memref<1x16384xf32, #tpu.memory_space<vmem>> -> memref<16384xf32, #tpu.memory_space<vmem>>
        tpu.vector_store_idx %scatter3A_669[%add3A_665], %get3A_662 : memref<16384xf32, #tpu.memory_space<vmem>>[vector<16xi32>], vector<16xf32>,
        %add3A_670 = arith.constant 5 : i32
        %add3A_671 = arith.addi %mul3A_514, %add3A_670 : i32
        %add3A_672 = arith.constant 5 : i32
        %add3A_673 = arith.addi %add3A_521, %add3A_672 : i32
        %add3A_674 = vector.broadcast %add3A_673 : i32 to vector<16xi32>
        %add3A_675 = arith.addi %add3A_13, %add3A_674 : vector<16xi32>
        %get3A_676 = arith.constant 1 : i32
        %get3A_677 = arith.index_cast %get3A_676 : i32 to index
        %get3A_678 = arith.index_cast %add3A_671 : i32 to index
        %get3A_679 = arith.constant 0 : index
        %get3A_680 = tpu.vector_load %arg6[%get3A_677, %get3A_678, %get3A_679] {strides = array<i32>} : memref<2x512x32xf32, #tpu.memory_space<vmem>>, vector<16xf32>,
        %add3A_681 = arith.constant 0 : i32
        %add3A_682 = vector.broadcast %add3A_681 : i32 to vector<16xi32>
        %add3A_683 = arith.addi %add3A_675, %add3A_682 : vector<16xi32>
        %scatter3A_684 = arith.constant 1 : i32
        %scatter3A_685 = arith.constant 0 : i32
        %scatter3A_686 = tpu.memref_slice %arg7[%scatter3A_684, %scatter3A_685] : memref<2x16384xf32, #tpu.memory_space<vmem>> -> memref<1x16384xf32, #tpu.memory_space<vmem>>
        %scatter3A_687 = tpu.memref_squeeze %scatter3A_686 : memref<1x16384xf32, #tpu.memory_space<vmem>> -> memref<16384xf32, #tpu.memory_space<vmem>>
        tpu.vector_store_idx %scatter3A_687[%add3A_683], %get3A_680 : memref<16384xf32, #tpu.memory_space<vmem>>[vector<16xi32>], vector<16xf32>,
        %get3A_688 = arith.constant 1 : i32
        %get3A_689 = arith.index_cast %get3A_688 : i32 to index
        %get3A_690 = arith.index_cast %add3A_671 : i32 to index
        %get3A_691 = arith.constant 16 : index
        %get3A_692 = tpu.vector_load %arg6[%get3A_689, %get3A_690, %get3A_691] {strides = array<i32>} : memref<2x512x32xf32, #tpu.memory_space<vmem>>, vector<16xf32>,
        %add3A_693 = arith.constant 8192 : i32
        %add3A_694 = vector.broadcast %add3A_693 : i32 to vector<16xi32>
        %add3A_695 = arith.addi %add3A_675, %add3A_694 : vector<16xi32>
        %scatter3A_696 = arith.constant 1 : i32
        %scatter3A_697 = arith.constant 0 : i32
        %scatter3A_698 = tpu.memref_slice %arg7[%scatter3A_696, %scatter3A_697] : memref<2x16384xf32, #tpu.memory_space<vmem>> -> memref<1x16384xf32, #tpu.memory_space<vmem>>
        %scatter3A_699 = tpu.memref_squeeze %scatter3A_698 : memref<1x16384xf32, #tpu.memory_space<vmem>> -> memref<16384xf32, #tpu.memory_space<vmem>>
        tpu.vector_store_idx %scatter3A_699[%add3A_695], %get3A_692 : memref<16384xf32, #tpu.memory_space<vmem>>[vector<16xi32>], vector<16xf32>,
        %add3A_700 = arith.constant 6 : i32
        %add3A_701 = arith.addi %mul3A_514, %add3A_700 : i32
        %add3A_702 = arith.constant 6 : i32
        %add3A_703 = arith.addi %add3A_521, %add3A_702 : i32
        %add3A_704 = vector.broadcast %add3A_703 : i32 to vector<16xi32>
        %add3A_705 = arith.addi %add3A_13, %add3A_704 : vector<16xi32>
        %get3A_706 = arith.constant 1 : i32
        %get3A_707 = arith.index_cast %get3A_706 : i32 to index
        %get3A_708 = arith.index_cast %add3A_701 : i32 to index
        %get3A_709 = arith.constant 0 : index
        %get3A_710 = tpu.vector_load %arg6[%get3A_707, %get3A_708, %get3A_709] {strides = array<i32>} : memref<2x512x32xf32, #tpu.memory_space<vmem>>, vector<16xf32>,
        %add3A_711 = arith.constant 0 : i32
        %add3A_712 = vector.broadcast %add3A_711 : i32 to vector<16xi32>
        %add3A_713 = arith.addi %add3A_705, %add3A_712 : vector<16xi32>
        %scatter3A_714 = arith.constant 1 : i32
        %scatter3A_715 = arith.constant 0 : i32
        %scatter3A_716 = tpu.memref_slice %arg7[%scatter3A_714, %scatter3A_715] : memref<2x16384xf32, #tpu.memory_space<vmem>> -> memref<1x16384xf32, #tpu.memory_space<vmem>>
        %scatter3A_717 = tpu.memref_squeeze %scatter3A_716 : memref<1x16384xf32, #tpu.memory_space<vmem>> -> memref<16384xf32, #tpu.memory_space<vmem>>
        tpu.vector_store_idx %scatter3A_717[%add3A_713], %get3A_710 : memref<16384xf32, #tpu.memory_space<vmem>>[vector<16xi32>], vector<16xf32>,
        %get3A_718 = arith.constant 1 : i32
        %get3A_719 = arith.index_cast %get3A_718 : i32 to index
        %get3A_720 = arith.index_cast %add3A_701 : i32 to index
        %get3A_721 = arith.constant 16 : index
        %get3A_722 = tpu.vector_load %arg6[%get3A_719, %get3A_720, %get3A_721] {strides = array<i32>} : memref<2x512x32xf32, #tpu.memory_space<vmem>>, vector<16xf32>,
        %add3A_723 = arith.constant 8192 : i32
        %add3A_724 = vector.broadcast %add3A_723 : i32 to vector<16xi32>
        %add3A_725 = arith.addi %add3A_705, %add3A_724 : vector<16xi32>
        %scatter3A_726 = arith.constant 1 : i32
        %scatter3A_727 = arith.constant 0 : i32
        %scatter3A_728 = tpu.memref_slice %arg7[%scatter3A_726, %scatter3A_727] : memref<2x16384xf32, #tpu.memory_space<vmem>> -> memref<1x16384xf32, #tpu.memory_space<vmem>>
        %scatter3A_729 = tpu.memref_squeeze %scatter3A_728 : memref<1x16384xf32, #tpu.memory_space<vmem>> -> memref<16384xf32, #tpu.memory_space<vmem>>
        tpu.vector_store_idx %scatter3A_729[%add3A_725], %get3A_722 : memref<16384xf32, #tpu.memory_space<vmem>>[vector<16xi32>], vector<16xf32>,
        %add3A_730 = arith.constant 7 : i32
        %add3A_731 = arith.addi %mul3A_514, %add3A_730 : i32
        %add3A_732 = arith.constant 7 : i32
        %add3A_733 = arith.addi %add3A_521, %add3A_732 : i32
        %add3A_734 = vector.broadcast %add3A_733 : i32 to vector<16xi32>
        %add3A_735 = arith.addi %add3A_13, %add3A_734 : vector<16xi32>
        %get3A_736 = arith.constant 1 : i32
        %get3A_737 = arith.index_cast %get3A_736 : i32 to index
        %get3A_738 = arith.index_cast %add3A_731 : i32 to index
        %get3A_739 = arith.constant 0 : index
        %get3A_740 = tpu.vector_load %arg6[%get3A_737, %get3A_738, %get3A_739] {strides = array<i32>} : memref<2x512x32xf32, #tpu.memory_space<vmem>>, vector<16xf32>,
        %add3A_741 = arith.constant 0 : i32
        %add3A_742 = vector.broadcast %add3A_741 : i32 to vector<16xi32>
        %add3A_743 = arith.addi %add3A_735, %add3A_742 : vector<16xi32>
        %scatter3A_744 = arith.constant 1 : i32
        %scatter3A_745 = arith.constant 0 : i32
        %scatter3A_746 = tpu.memref_slice %arg7[%scatter3A_744, %scatter3A_745] : memref<2x16384xf32, #tpu.memory_space<vmem>> -> memref<1x16384xf32, #tpu.memory_space<vmem>>
        %scatter3A_747 = tpu.memref_squeeze %scatter3A_746 : memref<1x16384xf32, #tpu.memory_space<vmem>> -> memref<16384xf32, #tpu.memory_space<vmem>>
        tpu.vector_store_idx %scatter3A_747[%add3A_743], %get3A_740 : memref<16384xf32, #tpu.memory_space<vmem>>[vector<16xi32>], vector<16xf32>,
        %get3A_748 = arith.constant 1 : i32
        %get3A_749 = arith.index_cast %get3A_748 : i32 to index
        %get3A_750 = arith.index_cast %add3A_731 : i32 to index
        %get3A_751 = arith.constant 16 : index
        %get3A_752 = tpu.vector_load %arg6[%get3A_749, %get3A_750, %get3A_751] {strides = array<i32>} : memref<2x512x32xf32, #tpu.memory_space<vmem>>, vector<16xf32>,
        %add3A_753 = arith.constant 8192 : i32
        %add3A_754 = vector.broadcast %add3A_753 : i32 to vector<16xi32>
        %add3A_755 = arith.addi %add3A_735, %add3A_754 : vector<16xi32>
        %scatter3A_756 = arith.constant 1 : i32
        %scatter3A_757 = arith.constant 0 : i32
        %scatter3A_758 = tpu.memref_slice %arg7[%scatter3A_756, %scatter3A_757] : memref<2x16384xf32, #tpu.memory_space<vmem>> -> memref<1x16384xf32, #tpu.memory_space<vmem>>
        %scatter3A_759 = tpu.memref_squeeze %scatter3A_758 : memref<1x16384xf32, #tpu.memory_space<vmem>> -> memref<16384xf32, #tpu.memory_space<vmem>>
        tpu.vector_store_idx %scatter3A_759[%add3A_755], %get3A_752 : memref<16384xf32, #tpu.memory_space<vmem>>[vector<16xi32>], vector<16xf32>,
      }
      %scan3A_423 = arith.constant 64 : i32
      %shift_right_arithmetic3A_424 = arith.constant 5 : i32
      %shift_right_arithmetic3A_425 = arith.shrsi %add3A_393, %shift_right_arithmetic3A_424 : i32
      %and3A_426 = arith.constant 31 : i32
      %and3A_427 = arith.andi %add3A_393, %and3A_426 : i32
      %mul3A_428 = arith.constant 4 : i32
      %mul3A_429 = arith.muli %shift_right_arithmetic3A_425, %mul3A_428 : i32
      %add3A_430 = arith.constant 0 : i32
      %add3A_431 = arith.addi %mul3A_429, %add3A_430 : i32
      %mul3A_432 = arith.constant 131072 : i32
      %mul3A_433 = arith.muli %add3A_431, %mul3A_432 : i32
      %mul3A_434 = arith.constant 4096 : i32
      %mul3A_435 = arith.muli %and3A_427, %mul3A_434 : i32
      %add3A_436 = arith.addi %mul3A_433, %mul3A_435 : i32
      %dma_start3A_437 = arith.constant 1 : i32
      %dma_start3A_438 = arith.constant 0 : i32
      %dma_start3A_439 = tpu.memref_slice %arg7[%dma_start3A_437, %dma_start3A_438] : memref<2x16384xf32, #tpu.memory_space<vmem>> -> memref<1x4096xf32, #tpu.memory_space<vmem>>
      %dma_start3A_440 = tpu.memref_squeeze %dma_start3A_439 : memref<1x4096xf32, #tpu.memory_space<vmem>> -> memref<4096xf32, #tpu.memory_space<vmem>>
      %dma_start3A_441 = tpu.memref_slice %arg4[%add3A_436] : memref<13631488xf32, #tpu.memory_space<hbm>> -> memref<4096xf32, #tpu.memory_space<hbm>>
      %dma_start3A_442 = tpu.memref_slice %arg4[%add3A_436] : memref<13631488xf32, #tpu.memory_space<hbm>> -> memref<4096xf32, #tpu.memory_space<hbm>>
      %dma_start3A_443 = arith.constant 0 : i32
      %dma_start3A_444 = tpu.memref_slice %arg7[%dma_start3A_437, %dma_start3A_443] : memref<2x16384xf32, #tpu.memory_space<vmem>> -> memref<1x4096xf32, #tpu.memory_space<vmem>>
      %dma_start3A_445 = tpu.memref_squeeze %dma_start3A_444 : memref<1x4096xf32, #tpu.memory_space<vmem>> -> memref<4096xf32, #tpu.memory_space<vmem>>
      tpu.enqueue_dma source(%dma_start3A_445 : memref<4096xf32, #tpu.memory_space<vmem>>) target(%dma_start3A_442 : memref<4096xf32, #tpu.memory_space<hbm>>) target_semaphore(%arg13 : memref<!tpu.dma_semaphore, #tpu.memory_space<semaphore_mem>>)
      %shift_right_arithmetic3A_446 = arith.constant 5 : i32
      %shift_right_arithmetic3A_447 = arith.shrsi %add3A_393, %shift_right_arithmetic3A_446 : i32
      %and3A_448 = arith.constant 31 : i32
      %and3A_449 = arith.andi %add3A_393, %and3A_448 : i32
      %mul3A_450 = arith.constant 4 : i32
      %mul3A_451 = arith.muli %shift_right_arithmetic3A_447, %mul3A_450 : i32
      %add3A_452 = arith.constant 1 : i32
      %add3A_453 = arith.addi %mul3A_451, %add3A_452 : i32
      %mul3A_454 = arith.constant 131072 : i32
      %mul3A_455 = arith.muli %add3A_453, %mul3A_454 : i32
      %mul3A_456 = arith.constant 4096 : i32
      %mul3A_457 = arith.muli %and3A_449, %mul3A_456 : i32
      %add3A_458 = arith.addi %mul3A_455, %mul3A_457 : i32
      %dma_start3A_459 = arith.constant 1 : i32
      %dma_start3A_460 = arith.constant 4096 : i32
      %dma_start3A_461 = tpu.memref_slice %arg7[%dma_start3A_459, %dma_start3A_460] : memref<2x16384xf32, #tpu.memory_space<vmem>> -> memref<1x4096xf32, #tpu.memory_space<vmem>>
      %dma_start3A_462 = tpu.memref_squeeze %dma_start3A_461 : memref<1x4096xf32, #tpu.memory_space<vmem>> -> memref<4096xf32, #tpu.memory_space<vmem>>
      %dma_start3A_463 = tpu.memref_slice %arg4[%add3A_458] : memref<13631488xf32, #tpu.memory_space<hbm>> -> memref<4096xf32, #tpu.memory_space<hbm>>
      %dma_start3A_464 = tpu.memref_slice %arg4[%add3A_458] : memref<13631488xf32, #tpu.memory_space<hbm>> -> memref<4096xf32, #tpu.memory_space<hbm>>
      %dma_start3A_465 = arith.constant 4096 : i32
      %dma_start3A_466 = tpu.memref_slice %arg7[%dma_start3A_459, %dma_start3A_465] : memref<2x16384xf32, #tpu.memory_space<vmem>> -> memref<1x4096xf32, #tpu.memory_space<vmem>>
      %dma_start3A_467 = tpu.memref_squeeze %dma_start3A_466 : memref<1x4096xf32, #tpu.memory_space<vmem>> -> memref<4096xf32, #tpu.memory_space<vmem>>
      tpu.enqueue_dma source(%dma_start3A_467 : memref<4096xf32, #tpu.memory_space<vmem>>) target(%dma_start3A_464 : memref<4096xf32, #tpu.memory_space<hbm>>) target_semaphore(%arg13 : memref<!tpu.dma_semaphore, #tpu.memory_space<semaphore_mem>>)
      %shift_right_arithmetic3A_468 = arith.constant 5 : i32
      %shift_right_arithmetic3A_469 = arith.shrsi %add3A_393, %shift_right_arithmetic3A_468 : i32
      %and3A_470 = arith.constant 31 : i32
      %and3A_471 = arith.andi %add3A_393, %and3A_470 : i32
      %mul3A_472 = arith.constant 4 : i32
      %mul3A_473 = arith.muli %shift_right_arithmetic3A_469, %mul3A_472 : i32
      %add3A_474 = arith.constant 2 : i32
      %add3A_475 = arith.addi %mul3A_473, %add3A_474 : i32
      %mul3A_476 = arith.constant 131072 : i32
      %mul3A_477 = arith.muli %add3A_475, %mul3A_476 : i32
      %mul3A_478 = arith.constant 4096 : i32
      %mul3A_479 = arith.muli %and3A_471, %mul3A_478 : i32
      %add3A_480 = arith.addi %mul3A_477, %mul3A_479 : i32
      %dma_start3A_481 = arith.constant 1 : i32
      %dma_start3A_482 = arith.constant 8192 : i32
      %dma_start3A_483 = tpu.memref_slice %arg7[%dma_start3A_481, %dma_start3A_482] : memref<2x16384xf32, #tpu.memory_space<vmem>> -> memref<1x4096xf32, #tpu.memory_space<vmem>>
      %dma_start3A_484 = tpu.memref_squeeze %dma_start3A_483 : memref<1x4096xf32, #tpu.memory_space<vmem>> -> memref<4096xf32, #tpu.memory_space<vmem>>
      %dma_start3A_485 = tpu.memref_slice %arg4[%add3A_480] : memref<13631488xf32, #tpu.memory_space<hbm>> -> memref<4096xf32, #tpu.memory_space<hbm>>
      %dma_start3A_486 = tpu.memref_slice %arg4[%add3A_480] : memref<13631488xf32, #tpu.memory_space<hbm>> -> memref<4096xf32, #tpu.memory_space<hbm>>
      %dma_start3A_487 = arith.constant 8192 : i32
      %dma_start3A_488 = tpu.memref_slice %arg7[%dma_start3A_481, %dma_start3A_487] : memref<2x16384xf32, #tpu.memory_space<vmem>> -> memref<1x4096xf32, #tpu.memory_space<vmem>>
      %dma_start3A_489 = tpu.memref_squeeze %dma_start3A_488 : memref<1x4096xf32, #tpu.memory_space<vmem>> -> memref<4096xf32, #tpu.memory_space<vmem>>
      tpu.enqueue_dma source(%dma_start3A_489 : memref<4096xf32, #tpu.memory_space<vmem>>) target(%dma_start3A_486 : memref<4096xf32, #tpu.memory_space<hbm>>) target_semaphore(%arg13 : memref<!tpu.dma_semaphore, #tpu.memory_space<semaphore_mem>>)
      %shift_right_arithmetic3A_490 = arith.constant 5 : i32
      %shift_right_arithmetic3A_491 = arith.shrsi %add3A_393, %shift_right_arithmetic3A_490 : i32
      %and3A_492 = arith.constant 31 : i32
      %and3A_493 = arith.andi %add3A_393, %and3A_492 : i32
      %mul3A_494 = arith.constant 4 : i32
      %mul3A_495 = arith.muli %shift_right_arithmetic3A_491, %mul3A_494 : i32
      %add3A_496 = arith.constant 3 : i32
      %add3A_497 = arith.addi %mul3A_495, %add3A_496 : i32
      %mul3A_498 = arith.constant 131072 : i32
      %mul3A_499 = arith.muli %add3A_497, %mul3A_498 : i32
      %mul3A_500 = arith.constant 4096 : i32
      %mul3A_501 = arith.muli %and3A_493, %mul3A_500 : i32
      %add3A_502 = arith.addi %mul3A_499, %mul3A_501 : i32
      %dma_start3A_503 = arith.constant 1 : i32
      %dma_start3A_504 = arith.constant 12288 : i32
      %dma_start3A_505 = tpu.memref_slice %arg7[%dma_start3A_503, %dma_start3A_504] : memref<2x16384xf32, #tpu.memory_space<vmem>> -> memref<1x4096xf32, #tpu.memory_space<vmem>>
      %dma_start3A_506 = tpu.memref_squeeze %dma_start3A_505 : memref<1x4096xf32, #tpu.memory_space<vmem>> -> memref<4096xf32, #tpu.memory_space<vmem>>
      %dma_start3A_507 = tpu.memref_slice %arg4[%add3A_502] : memref<13631488xf32, #tpu.memory_space<hbm>> -> memref<4096xf32, #tpu.memory_space<hbm>>
      %dma_start3A_508 = tpu.memref_slice %arg4[%add3A_502] : memref<13631488xf32, #tpu.memory_space<hbm>> -> memref<4096xf32, #tpu.memory_space<hbm>>
      %dma_start3A_509 = arith.constant 12288 : i32
      %dma_start3A_510 = tpu.memref_slice %arg7[%dma_start3A_503, %dma_start3A_509] : memref<2x16384xf32, #tpu.memory_space<vmem>> -> memref<1x4096xf32, #tpu.memory_space<vmem>>
      %dma_start3A_511 = tpu.memref_squeeze %dma_start3A_510 : memref<1x4096xf32, #tpu.memory_space<vmem>> -> memref<4096xf32, #tpu.memory_space<vmem>>
      tpu.enqueue_dma source(%dma_start3A_511 : memref<4096xf32, #tpu.memory_space<vmem>>) target(%dma_start3A_508 : memref<4096xf32, #tpu.memory_space<hbm>>) target_semaphore(%arg13 : memref<!tpu.dma_semaphore, #tpu.memory_space<semaphore_mem>>)
    }
    %scan3A_81 = arith.constant 13 : i32
    %add3A_82 = arith.constant 26 : i32
    %add3A_83 = arith.addi %mul3A_2, %add3A_82 : i32
    %sub3A = arith.constant 2 : i32
    %sub3A_84 = arith.subi %add3A_83, %sub3A : i32
    %add3A_85 = arith.constant 0 : i32
    %add3A_86 = arith.addi %sub3A_84, %add3A_85 : i32
    %shift_right_arithmetic3A_87 = arith.constant 5 : i32
    %shift_right_arithmetic3A_88 = arith.shrsi %add3A_86, %shift_right_arithmetic3A_87 : i32
    %and3A_89 = arith.constant 31 : i32
    %and3A_90 = arith.andi %add3A_86, %and3A_89 : i32
    %mul3A_91 = arith.constant 4 : i32
    %mul3A_92 = arith.muli %shift_right_arithmetic3A_88, %mul3A_91 : i32
    %add3A_93 = arith.constant 0 : i32
    %add3A_94 = arith.addi %mul3A_92, %add3A_93 : i32
    %mul3A_95 = arith.constant 131072 : i32
    %mul3A_96 = arith.muli %add3A_94, %mul3A_95 : i32
    %mul3A_97 = arith.constant 4096 : i32
    %mul3A_98 = arith.muli %and3A_90, %mul3A_97 : i32
    %add3A_99 = arith.addi %mul3A_96, %mul3A_98 : i32
    %dma_wait3A_100 = arith.constant 0 : i32
    %dma_wait3A_101 = arith.constant 0 : i32
    %dma_wait3A_102 = tpu.memref_slice %arg7[%dma_wait3A_100, %dma_wait3A_101] : memref<2x16384xf32, #tpu.memory_space<vmem>> -> memref<1x4096xf32, #tpu.memory_space<vmem>>
    %dma_wait3A_103 = tpu.memref_squeeze %dma_wait3A_102 : memref<1x4096xf32, #tpu.memory_space<vmem>> -> memref<4096xf32, #tpu.memory_space<vmem>>
    %dma_wait3A_104 = tpu.memref_slice %arg4[%add3A_99] : memref<13631488xf32, #tpu.memory_space<hbm>> -> memref<4096xf32, #tpu.memory_space<hbm>>
    %dma_wait3A_105 = tpu.memref_slice %arg4[%add3A_99] : memref<13631488xf32, #tpu.memory_space<hbm>> -> memref<4096xf32, #tpu.memory_space<hbm>>
    %dma_wait3A_106 = arith.constant 0 : i32
    %dma_wait3A_107 = tpu.memref_slice %arg7[%dma_wait3A_100, %dma_wait3A_106] : memref<2x16384xf32, #tpu.memory_space<vmem>> -> memref<1x4096xf32, #tpu.memory_space<vmem>>
    %dma_wait3A_108 = tpu.memref_squeeze %dma_wait3A_107 : memref<1x4096xf32, #tpu.memory_space<vmem>> -> memref<4096xf32, #tpu.memory_space<vmem>>
    tpu.wait_dma2 semaphore(%arg12 : memref<!tpu.dma_semaphore, #tpu.memory_space<semaphore_mem>>) src(%dma_wait3A_108 : memref<4096xf32, #tpu.memory_space<vmem>>) dst(%dma_wait3A_105 : memref<4096xf32, #tpu.memory_space<hbm>>)
    %shift_right_arithmetic3A_109 = arith.constant 5 : i32
    %shift_right_arithmetic3A_110 = arith.shrsi %add3A_86, %shift_right_arithmetic3A_109 : i32
    %and3A_111 = arith.constant 31 : i32
    %and3A_112 = arith.andi %add3A_86, %and3A_111 : i32
    %mul3A_113 = arith.constant 4 : i32
    %mul3A_114 = arith.muli %shift_right_arithmetic3A_110, %mul3A_113 : i32
    %add3A_115 = arith.constant 1 : i32
    %add3A_116 = arith.addi %mul3A_114, %add3A_115 : i32
    %mul3A_117 = arith.constant 131072 : i32
    %mul3A_118 = arith.muli %add3A_116, %mul3A_117 : i32
    %mul3A_119 = arith.constant 4096 : i32
    %mul3A_120 = arith.muli %and3A_112, %mul3A_119 : i32
    %add3A_121 = arith.addi %mul3A_118, %mul3A_120 : i32
    %dma_wait3A_122 = arith.constant 0 : i32
    %dma_wait3A_123 = arith.constant 4096 : i32
    %dma_wait3A_124 = tpu.memref_slice %arg7[%dma_wait3A_122, %dma_wait3A_123] : memref<2x16384xf32, #tpu.memory_space<vmem>> -> memref<1x4096xf32, #tpu.memory_space<vmem>>
    %dma_wait3A_125 = tpu.memref_squeeze %dma_wait3A_124 : memref<1x4096xf32, #tpu.memory_space<vmem>> -> memref<4096xf32, #tpu.memory_space<vmem>>
    %dma_wait3A_126 = tpu.memref_slice %arg4[%add3A_121] : memref<13631488xf32, #tpu.memory_space<hbm>> -> memref<4096xf32, #tpu.memory_space<hbm>>
    %dma_wait3A_127 = tpu.memref_slice %arg4[%add3A_121] : memref<13631488xf32, #tpu.memory_space<hbm>> -> memref<4096xf32, #tpu.memory_space<hbm>>
    %dma_wait3A_128 = arith.constant 4096 : i32
    %dma_wait3A_129 = tpu.memref_slice %arg7[%dma_wait3A_122, %dma_wait3A_128] : memref<2x16384xf32, #tpu.memory_space<vmem>> -> memref<1x4096xf32, #tpu.memory_space<vmem>>
    %dma_wait3A_130 = tpu.memref_squeeze %dma_wait3A_129 : memref<1x4096xf32, #tpu.memory_space<vmem>> -> memref<4096xf32, #tpu.memory_space<vmem>>
    tpu.wait_dma2 semaphore(%arg12 : memref<!tpu.dma_semaphore, #tpu.memory_space<semaphore_mem>>) src(%dma_wait3A_130 : memref<4096xf32, #tpu.memory_space<vmem>>) dst(%dma_wait3A_127 : memref<4096xf32, #tpu.memory_space<hbm>>)
    %shift_right_arithmetic3A_131 = arith.constant 5 : i32
    %shift_right_arithmetic3A_132 = arith.shrsi %add3A_86, %shift_right_arithmetic3A_131 : i32
    %and3A_133 = arith.constant 31 : i32
    %and3A_134 = arith.andi %add3A_86, %and3A_133 : i32
    %mul3A_135 = arith.constant 4 : i32
    %mul3A_136 = arith.muli %shift_right_arithmetic3A_132, %mul3A_135 : i32
    %add3A_137 = arith.constant 2 : i32
    %add3A_138 = arith.addi %mul3A_136, %add3A_137 : i32
    %mul3A_139 = arith.constant 131072 : i32
    %mul3A_140 = arith.muli %add3A_138, %mul3A_139 : i32
    %mul3A_141 = arith.constant 4096 : i32
    %mul3A_142 = arith.muli %and3A_134, %mul3A_141 : i32
    %add3A_143 = arith.addi %mul3A_140, %mul3A_142 : i32
    %dma_wait3A_144 = arith.constant 0 : i32
    %dma_wait3A_145 = arith.constant 8192 : i32
    %dma_wait3A_146 = tpu.memref_slice %arg7[%dma_wait3A_144, %dma_wait3A_145] : memref<2x16384xf32, #tpu.memory_space<vmem>> -> memref<1x4096xf32, #tpu.memory_space<vmem>>
    %dma_wait3A_147 = tpu.memref_squeeze %dma_wait3A_146 : memref<1x4096xf32, #tpu.memory_space<vmem>> -> memref<4096xf32, #tpu.memory_space<vmem>>
    %dma_wait3A_148 = tpu.memref_slice %arg4[%add3A_143] : memref<13631488xf32, #tpu.memory_space<hbm>> -> memref<4096xf32, #tpu.memory_space<hbm>>
    %dma_wait3A_149 = tpu.memref_slice %arg4[%add3A_143] : memref<13631488xf32, #tpu.memory_space<hbm>> -> memref<4096xf32, #tpu.memory_space<hbm>>
    %dma_wait3A_150 = arith.constant 8192 : i32
    %dma_wait3A_151 = tpu.memref_slice %arg7[%dma_wait3A_144, %dma_wait3A_150] : memref<2x16384xf32, #tpu.memory_space<vmem>> -> memref<1x4096xf32, #tpu.memory_space<vmem>>
    %dma_wait3A_152 = tpu.memref_squeeze %dma_wait3A_151 : memref<1x4096xf32, #tpu.memory_space<vmem>> -> memref<4096xf32, #tpu.memory_space<vmem>>
    tpu.wait_dma2 semaphore(%arg12 : memref<!tpu.dma_semaphore, #tpu.memory_space<semaphore_mem>>) src(%dma_wait3A_152 : memref<4096xf32, #tpu.memory_space<vmem>>) dst(%dma_wait3A_149 : memref<4096xf32, #tpu.memory_space<hbm>>)
    %shift_right_arithmetic3A_153 = arith.constant 5 : i32
    %shift_right_arithmetic3A_154 = arith.shrsi %add3A_86, %shift_right_arithmetic3A_153 : i32
    %and3A_155 = arith.constant 31 : i32
    %and3A_156 = arith.andi %add3A_86, %and3A_155 : i32
    %mul3A_157 = arith.constant 4 : i32
    %mul3A_158 = arith.muli %shift_right_arithmetic3A_154, %mul3A_157 : i32
    %add3A_159 = arith.constant 3 : i32
    %add3A_160 = arith.addi %mul3A_158, %add3A_159 : i32
    %mul3A_161 = arith.constant 131072 : i32
    %mul3A_162 = arith.muli %add3A_160, %mul3A_161 : i32
    %mul3A_163 = arith.constant 4096 : i32
    %mul3A_164 = arith.muli %and3A_156, %mul3A_163 : i32
    %add3A_165 = arith.addi %mul3A_162, %mul3A_164 : i32
    %dma_wait3A_166 = arith.constant 0 : i32
    %dma_wait3A_167 = arith.constant 12288 : i32
    %dma_wait3A_168 = tpu.memref_slice %arg7[%dma_wait3A_166, %dma_wait3A_167] : memref<2x16384xf32, #tpu.memory_space<vmem>> -> memref<1x4096xf32, #tpu.memory_space<vmem>>
    %dma_wait3A_169 = tpu.memref_squeeze %dma_wait3A_168 : memref<1x4096xf32, #tpu.memory_space<vmem>> -> memref<4096xf32, #tpu.memory_space<vmem>>
    %dma_wait3A_170 = tpu.memref_slice %arg4[%add3A_165] : memref<13631488xf32, #tpu.memory_space<hbm>> -> memref<4096xf32, #tpu.memory_space<hbm>>
    %dma_wait3A_171 = tpu.memref_slice %arg4[%add3A_165] : memref<13631488xf32, #tpu.memory_space<hbm>> -> memref<4096xf32, #tpu.memory_space<hbm>>
    %dma_wait3A_172 = arith.constant 12288 : i32
    %dma_wait3A_173 = tpu.memref_slice %arg7[%dma_wait3A_166, %dma_wait3A_172] : memref<2x16384xf32, #tpu.memory_space<vmem>> -> memref<1x4096xf32, #tpu.memory_space<vmem>>
    %dma_wait3A_174 = tpu.memref_squeeze %dma_wait3A_173 : memref<1x4096xf32, #tpu.memory_space<vmem>> -> memref<4096xf32, #tpu.memory_space<vmem>>
    tpu.wait_dma2 semaphore(%arg12 : memref<!tpu.dma_semaphore, #tpu.memory_space<semaphore_mem>>) src(%dma_wait3A_174 : memref<4096xf32, #tpu.memory_space<vmem>>) dst(%dma_wait3A_171 : memref<4096xf32, #tpu.memory_space<hbm>>)
    %add3A_175 = arith.constant 26 : i32
    %add3A_176 = arith.addi %mul3A_2, %add3A_175 : i32
    %sub3A_177 = arith.constant 2 : i32
    %sub3A_178 = arith.subi %add3A_176, %sub3A_177 : i32
    %add3A_179 = arith.constant 1 : i32
    %add3A_180 = arith.addi %sub3A_178, %add3A_179 : i32
    %shift_right_arithmetic3A_181 = arith.constant 5 : i32
    %shift_right_arithmetic3A_182 = arith.shrsi %add3A_180, %shift_right_arithmetic3A_181 : i32
    %and3A_183 = arith.constant 31 : i32
    %and3A_184 = arith.andi %add3A_180, %and3A_183 : i32
    %mul3A_185 = arith.constant 4 : i32
    %mul3A_186 = arith.muli %shift_right_arithmetic3A_182, %mul3A_185 : i32
    %add3A_187 = arith.constant 0 : i32
    %add3A_188 = arith.addi %mul3A_186, %add3A_187 : i32
    %mul3A_189 = arith.constant 131072 : i32
    %mul3A_190 = arith.muli %add3A_188, %mul3A_189 : i32
    %mul3A_191 = arith.constant 4096 : i32
    %mul3A_192 = arith.muli %and3A_184, %mul3A_191 : i32
    %add3A_193 = arith.addi %mul3A_190, %mul3A_192 : i32
    %dma_wait3A_194 = arith.constant 1 : i32
    %dma_wait3A_195 = arith.constant 0 : i32
    %dma_wait3A_196 = tpu.memref_slice %arg7[%dma_wait3A_194, %dma_wait3A_195] : memref<2x16384xf32, #tpu.memory_space<vmem>> -> memref<1x4096xf32, #tpu.memory_space<vmem>>
    %dma_wait3A_197 = tpu.memref_squeeze %dma_wait3A_196 : memref<1x4096xf32, #tpu.memory_space<vmem>> -> memref<4096xf32, #tpu.memory_space<vmem>>
    %dma_wait3A_198 = tpu.memref_slice %arg4[%add3A_193] : memref<13631488xf32, #tpu.memory_space<hbm>> -> memref<4096xf32, #tpu.memory_space<hbm>>
    %dma_wait3A_199 = tpu.memref_slice %arg4[%add3A_193] : memref<13631488xf32, #tpu.memory_space<hbm>> -> memref<4096xf32, #tpu.memory_space<hbm>>
    %dma_wait3A_200 = arith.constant 0 : i32
    %dma_wait3A_201 = tpu.memref_slice %arg7[%dma_wait3A_194, %dma_wait3A_200] : memref<2x16384xf32, #tpu.memory_space<vmem>> -> memref<1x4096xf32, #tpu.memory_space<vmem>>
    %dma_wait3A_202 = tpu.memref_squeeze %dma_wait3A_201 : memref<1x4096xf32, #tpu.memory_space<vmem>> -> memref<4096xf32, #tpu.memory_space<vmem>>
    tpu.wait_dma2 semaphore(%arg13 : memref<!tpu.dma_semaphore, #tpu.memory_space<semaphore_mem>>) src(%dma_wait3A_202 : memref<4096xf32, #tpu.memory_space<vmem>>) dst(%dma_wait3A_199 : memref<4096xf32, #tpu.memory_space<hbm>>)
    %shift_right_arithmetic3A_203 = arith.constant 5 : i32
    %shift_right_arithmetic3A_204 = arith.shrsi %add3A_180, %shift_right_arithmetic3A_203 : i32
    %and3A_205 = arith.constant 31 : i32
    %and3A_206 = arith.andi %add3A_180, %and3A_205 : i32
    %mul3A_207 = arith.constant 4 : i32
    %mul3A_208 = arith.muli %shift_right_arithmetic3A_204, %mul3A_207 : i32
    %add3A_209 = arith.constant 1 : i32
    %add3A_210 = arith.addi %mul3A_208, %add3A_209 : i32
    %mul3A_211 = arith.constant 131072 : i32
    %mul3A_212 = arith.muli %add3A_210, %mul3A_211 : i32
    %mul3A_213 = arith.constant 4096 : i32
    %mul3A_214 = arith.muli %and3A_206, %mul3A_213 : i32
    %add3A_215 = arith.addi %mul3A_212, %mul3A_214 : i32
    %dma_wait3A_216 = arith.constant 1 : i32
    %dma_wait3A_217 = arith.constant 4096 : i32
    %dma_wait3A_218 = tpu.memref_slice %arg7[%dma_wait3A_216, %dma_wait3A_217] : memref<2x16384xf32, #tpu.memory_space<vmem>> -> memref<1x4096xf32, #tpu.memory_space<vmem>>
    %dma_wait3A_219 = tpu.memref_squeeze %dma_wait3A_218 : memref<1x4096xf32, #tpu.memory_space<vmem>> -> memref<4096xf32, #tpu.memory_space<vmem>>
    %dma_wait3A_220 = tpu.memref_slice %arg4[%add3A_215] : memref<13631488xf32, #tpu.memory_space<hbm>> -> memref<4096xf32, #tpu.memory_space<hbm>>
    %dma_wait3A_221 = tpu.memref_slice %arg4[%add3A_215] : memref<13631488xf32, #tpu.memory_space<hbm>> -> memref<4096xf32, #tpu.memory_space<hbm>>
    %dma_wait3A_222 = arith.constant 4096 : i32
    %dma_wait3A_223 = tpu.memref_slice %arg7[%dma_wait3A_216, %dma_wait3A_222] : memref<2x16384xf32, #tpu.memory_space<vmem>> -> memref<1x4096xf32, #tpu.memory_space<vmem>>
    %dma_wait3A_224 = tpu.memref_squeeze %dma_wait3A_223 : memref<1x4096xf32, #tpu.memory_space<vmem>> -> memref<4096xf32, #tpu.memory_space<vmem>>
    tpu.wait_dma2 semaphore(%arg13 : memref<!tpu.dma_semaphore, #tpu.memory_space<semaphore_mem>>) src(%dma_wait3A_224 : memref<4096xf32, #tpu.memory_space<vmem>>) dst(%dma_wait3A_221 : memref<4096xf32, #tpu.memory_space<hbm>>)
    %shift_right_arithmetic3A_225 = arith.constant 5 : i32
    %shift_right_arithmetic3A_226 = arith.shrsi %add3A_180, %shift_right_arithmetic3A_225 : i32
    %and3A_227 = arith.constant 31 : i32
    %and3A_228 = arith.andi %add3A_180, %and3A_227 : i32
    %mul3A_229 = arith.constant 4 : i32
    %mul3A_230 = arith.muli %shift_right_arithmetic3A_226, %mul3A_229 : i32
    %add3A_231 = arith.constant 2 : i32
    %add3A_232 = arith.addi %mul3A_230, %add3A_231 : i32
    %mul3A_233 = arith.constant 131072 : i32
    %mul3A_234 = arith.muli %add3A_232, %mul3A_233 : i32
    %mul3A_235 = arith.constant 4096 : i32
    %mul3A_236 = arith.muli %and3A_228, %mul3A_235 : i32
    %add3A_237 = arith.addi %mul3A_234, %mul3A_236 : i32
    %dma_wait3A_238 = arith.constant 1 : i32
    %dma_wait3A_239 = arith.constant 8192 : i32
    %dma_wait3A_240 = tpu.memref_slice %arg7[%dma_wait3A_238, %dma_wait3A_239] : memref<2x16384xf32, #tpu.memory_space<vmem>> -> memref<1x4096xf32, #tpu.memory_space<vmem>>
    %dma_wait3A_241 = tpu.memref_squeeze %dma_wait3A_240 : memref<1x4096xf32, #tpu.memory_space<vmem>> -> memref<4096xf32, #tpu.memory_space<vmem>>
    %dma_wait3A_242 = tpu.memref_slice %arg4[%add3A_237] : memref<13631488xf32, #tpu.memory_space<hbm>> -> memref<4096xf32, #tpu.memory_space<hbm>>
    %dma_wait3A_243 = tpu.memref_slice %arg4[%add3A_237] : memref<13631488xf32, #tpu.memory_space<hbm>> -> memref<4096xf32, #tpu.memory_space<hbm>>
    %dma_wait3A_244 = arith.constant 8192 : i32
    %dma_wait3A_245 = tpu.memref_slice %arg7[%dma_wait3A_238, %dma_wait3A_244] : memref<2x16384xf32, #tpu.memory_space<vmem>> -> memref<1x4096xf32, #tpu.memory_space<vmem>>
    %dma_wait3A_246 = tpu.memref_squeeze %dma_wait3A_245 : memref<1x4096xf32, #tpu.memory_space<vmem>> -> memref<4096xf32, #tpu.memory_space<vmem>>
    tpu.wait_dma2 semaphore(%arg13 : memref<!tpu.dma_semaphore, #tpu.memory_space<semaphore_mem>>) src(%dma_wait3A_246 : memref<4096xf32, #tpu.memory_space<vmem>>) dst(%dma_wait3A_243 : memref<4096xf32, #tpu.memory_space<hbm>>)
    %shift_right_arithmetic3A_247 = arith.constant 5 : i32
    %shift_right_arithmetic3A_248 = arith.shrsi %add3A_180, %shift_right_arithmetic3A_247 : i32
    %and3A_249 = arith.constant 31 : i32
    %and3A_250 = arith.andi %add3A_180, %and3A_249 : i32
    %mul3A_251 = arith.constant 4 : i32
    %mul3A_252 = arith.muli %shift_right_arithmetic3A_248, %mul3A_251 : i32
    %add3A_253 = arith.constant 3 : i32
    %add3A_254 = arith.addi %mul3A_252, %add3A_253 : i32
    %mul3A_255 = arith.constant 131072 : i32
    %mul3A_256 = arith.muli %add3A_254, %mul3A_255 : i32
    %mul3A_257 = arith.constant 4096 : i32
    %mul3A_258 = arith.muli %and3A_250, %mul3A_257 : i32
    %add3A_259 = arith.addi %mul3A_256, %mul3A_258 : i32
    %dma_wait3A_260 = arith.constant 1 : i32
    %dma_wait3A_261 = arith.constant 12288 : i32
    %dma_wait3A_262 = tpu.memref_slice %arg7[%dma_wait3A_260, %dma_wait3A_261] : memref<2x16384xf32, #tpu.memory_space<vmem>> -> memref<1x4096xf32, #tpu.memory_space<vmem>>
    %dma_wait3A_263 = tpu.memref_squeeze %dma_wait3A_262 : memref<1x4096xf32, #tpu.memory_space<vmem>> -> memref<4096xf32, #tpu.memory_space<vmem>>
    %dma_wait3A_264 = tpu.memref_slice %arg4[%add3A_259] : memref<13631488xf32, #tpu.memory_space<hbm>> -> memref<4096xf32, #tpu.memory_space<hbm>>
    %dma_wait3A_265 = tpu.memref_slice %arg4[%add3A_259] : memref<13631488xf32, #tpu.memory_space<hbm>> -> memref<4096xf32, #tpu.memory_space<hbm>>
    %dma_wait3A_266 = arith.constant 12288 : i32
    %dma_wait3A_267 = tpu.memref_slice %arg7[%dma_wait3A_260, %dma_wait3A_266] : memref<2x16384xf32, #tpu.memory_space<vmem>> -> memref<1x4096xf32, #tpu.memory_space<vmem>>
    %dma_wait3A_268 = tpu.memref_squeeze %dma_wait3A_267 : memref<1x4096xf32, #tpu.memory_space<vmem>> -> memref<4096xf32, #tpu.memory_space<vmem>>
    tpu.wait_dma2 semaphore(%arg13 : memref<!tpu.dma_semaphore, #tpu.memory_space<semaphore_mem>>) src(%dma_wait3A_268 : memref<4096xf32, #tpu.memory_space<vmem>>) dst(%dma_wait3A_265 : memref<4096xf32, #tpu.memory_space<hbm>>)
    return
  }
}

</mosaic_0001>

<sc_bundles>
// kernel: kernel.3.cloned.1.call-start
scs
__scs_entry_jumppad:
0x0: {  	(pc) =	sbr.rel $0x88, $3  }
0x1: {  	(tag) =	ssettag $0x0;
	lr =	simm.s32 $0x1  }
0x2: {  	[smem:$0x3F9F] =	sst lr;
	_ =	strace $0xD0000000  }
0x3: {  	_ = 	snop  }
0x4: {  	_ = 	snop  }
0x5: {  	_ = 	snop  }
0x6: {  	_ = 	snop  }
0x7: {  	_ = 	snop  }
__scs_overlays_trampoline_lowered:
0x8: {  	[smem:$0x3FAE] =	sst s0  }
0x9: {  	[smem:$0x3FAF] =	sst s1  }
0xa: {  	[smem:$0x3FB0] =	sst s2  }
0xb: {  	[smem:$0x3FB1] =	sst s3  }
0xc: {  	[smem:$0x3FB2] =	sst s4  }
0xd: {  	[smem:$0x3FB3] =	sst s5  }
0xe: {  	[smem:$0x3FB4] =	sst s6  }
0xf: {  	[smem:$0x3FB5] =	sst s7  }
0x10: {  	[smem:$0x3FB6] =	sst s8  }
0x11: {  	[smem:$0x3FB7] =	sst s9;
	s0 =	simm.s32 @!p0 $0x0  }
0x12: {  	s1 =	sld [smem:$0x3F9D];
	s0 =	simm.s32 @p0 $0x1  }
0x13: {  	[smem:$0x3FB8] =	sst s0;
	s0 =	simm.s32 @!p1 $0x0  }
0x14: {  	s2 =	sld [smem:$0x3F9C];
	s0 =	simm.s32 @p1 $0x1  }
0x15: {  	[smem:$0x3FB9] =	sst s0;
	s0 =	simm.s32 @!p2 $0x0  }
0x16: {  	s3 =	sld [smem:$0x3FDB];
	s0 =	simm.s32 @p2 $0x1  }
0x17: {  	s4 =	simm.s32 $0x1BF5;
	[smem:$0x3FBB] =	sst s0  }
0x18: {  	s0 =	sld [smem:$0x3F9E];
	_ =	swait.ge [sflag:s4], $0x0  }
0x19: {  	s7 =	sld [smem:$0x3F9F]  }
0x1a: {  	s8 =	sadd.s32 $0xFFFFE003, lr  }
0x1b: {  	s9 =	sadd.s32 $0xFFFFFEF7, lr;
	s5 =	simm.s32 $0xFFFFFFFF;
	p2 =	slt.u32 s8, $0xFFFFF086  }
0x1c: {  	p1 =	slt.u32 s9, $0xF7A;
	s5 =	simm.s32 @!p2 $0x0  }
0x1d: {  	s5 =	simm.s32 @p1 $0x1;
	p0 =	seq.s32 s7, s2  }
0x1e: {  	s7 =	smul.u32 @!p0 $0xF7A, s2;
	p2 =	seq.s32 @!p0 s5, $0x0  }
0x1f: {  	s9 =	smul.u32 $0xF7A, s1;
	s8 =	simm.s32 @!p0 $0x1BF5;
	p2 =	por !p2, p0  }
0x20: {  	[sflag:s8] =	ssyncset.s32 @!p0 $0xFFFFF086;
	s6 =	sadd.s32 @!p0 s3, s7;
	s7 =	simm.s32 @!p0 $0x108  }
0x21: {  	s3 =	sadd.s32 s3, s9;
	s6 =	sadd.s32 @!p0 $0x88, s6;
	s7 =	simm.s32 @p2 $0x1082  }
0x22: {  	[simem:s7], [sflag:s8] =	dma.local @!p0 [hbm:s6], $0xF7A  }
0x23: {  	s9 =	sor.u32 $0xD0000000, s2;
	s6 =	simm.s32 $0x108;
	_ =	swait.ge @!p0 [sflag:s8], $0x0  }
0x24: {  	s3 =	sadd.s32 $0x88, s3;
	s6 =	simm.s32 @!p1 $0x1082;
	[sflag:s4] =	ssyncset.s32 $0xFFFFF086  }
0x25: {  	[simem:s6], [sflag:s4] =	dma.local [hbm:s3], $0xF7A  }
0x26: {  	[smem:$0x3F9F] =	sst s1;
	(tag) =	ssettag s2;
	_ =	strace s9  }
0x27: {  	s1 =	sld [smem:$0x3FAF]  }
0x28: {  	s2 =	sld [smem:$0x3FB0]  }
0x29: {  	s4 =	sld [smem:$0x3FB2]  }
0x2a: {  	p0 =	seq.s32 s5, $0x0;
	s5 =	sld [smem:$0x3FB3]  }
0x2b: {  	s6 =	sld [smem:$0x3FB4]  }
0x2c: {  	s7 =	sld [smem:$0x3FB5]  }
0x2d: {  	s3 =	simm.s32 $0x108;
	s8 =	sld [smem:$0x3FB6]  }
0x2e: {  	s3 =	simm.s32 @!p0 $0x1082;
	s9 =	sld [smem:$0x3FB7]  }
0x2f: {  	lr =	sadd.s32 s0, s3;
	s0 =	sld [smem:$0x3FAE]  }
0x30: {  	s3 =	sld [smem:$0x3FB1]  }
0x31: {  	[smem:$0x3FBA] =	sst s10  }
0x32: {  	s10 =	sld [smem:$0x3FB8];
	_ =	sdelay $0x3  }
0x33: {  	p0 =	seq.s32 s10, $0x1;
	s10 =	sld [smem:$0x3FBA];
	_ =	sdelay $0x3  }
0x34: {  	[smem:$0x3FBA] =	sst s10  }
0x35: {  	s10 =	sld [smem:$0x3FB9];
	_ =	sdelay $0x3  }
0x36: {  	p1 =	seq.s32 s10, $0x1;
	s10 =	sld [smem:$0x3FBA];
	_ =	sdelay $0x3  }
0x37: {  	[smem:$0x3FBA] =	sst s10  }
0x38: {  	s10 =	sld [smem:$0x3FBB]  }
0x39: {  	_ = 	snop;
	(pc) =	sbr.ind lr, $3  }
0x3a: {  	_ = 	snop  }
0x3b: {  	_ = 	snop  }
0x3c: {  	p2 =	seq.s32 s10, $0x1;
	s10 =	sld [smem:$0x3FBA]  }
0x3d: {  	_ =	shalt  }
0x3e: {  	_ =	shalt  }
0x3f: {  	_ =	shalt  }
0x40: {  	_ =	shalt  }
0x41: {  	_ =	shalt  }
0x42: {  	_ =	shalt  }
0x43: {  	_ =	shalt  }
0x44: {  	_ =	shalt  }
0x45: {  	_ =	shalt  }
0x46: {  	_ =	shalt  }
0x47: {  	_ =	shalt  }
0x48: {  	_ =	shalt  }
0x49: {  	_ =	shalt  }
0x4a: {  	_ =	shalt  }
0x4b: {  	_ =	shalt  }
0x4c: {  	_ =	shalt  }
0x4d: {  	_ =	shalt  }
0x4e: {  	_ =	shalt  }
0x4f: {  	_ =	shalt  }
0x50: {  	_ =	shalt  }
0x51: {  	_ =	shalt  }
0x52: {  	_ =	shalt  }
0x53: {  	_ =	shalt  }
0x54: {  	_ =	shalt  }
0x55: {  	_ =	shalt  }
0x56: {  	_ =	shalt  }
0x57: {  	_ =	shalt  }
0x58: {  	_ =	shalt  }
0x59: {  	_ =	shalt  }
0x5a: {  	_ =	shalt  }
0x5b: {  	_ =	shalt  }
0x5c: {  	_ =	shalt  }
0x5d: {  	_ =	shalt  }
0x5e: {  	_ =	shalt  }
0x5f: {  	_ =	shalt  }
0x60: {  	_ =	shalt  }
0x61: {  	_ =	shalt  }
0x62: {  	_ =	shalt  }
0x63: {  	_ =	shalt  }
0x64: {  	_ =	shalt  }
0x65: {  	_ =	shalt  }
0x66: {  	_ =	shalt  }
0x67: {  	_ =	shalt  }
0x68: {  	_ =	shalt  }
0x69: {  	_ =	shalt  }
0x6a: {  	_ =	shalt  }
0x6b: {  	_ =	shalt  }
0x6c: {  	_ =	shalt  }
0x6d: {  	_ =	shalt  }
0x6e: {  	_ =	shalt  }
0x6f: {  	_ =	shalt  }
0x70: {  	_ =	shalt  }
0x71: {  	_ =	shalt  }
0x72: {  	_ =	shalt  }
0x73: {  	_ =	shalt  }
0x74: {  	_ =	shalt  }
0x75: {  	_ =	shalt  }
0x76: {  	_ =	shalt  }
0x77: {  	_ =	shalt  }
0x78: {  	_ =	shalt  }
0x79: {  	_ =	shalt  }
0x7a: {  	_ =	shalt  }
0x7b: {  	_ =	shalt  }
0x7c: {  	_ =	shalt  }
0x7d: {  	_ =	shalt  }
0x7e: {  	_ =	shalt  }
0x7f: {  	_ =	shalt  }
0x80: {  	_ =	shalt  }
0x81: {  	_ =	shalt  }
0x82: {  	_ =	shalt  }
0x83: {  	_ =	shalt  }
0x84: {  	_ =	shalt  }
0x85: {  	_ =	shalt  }
0x86: {  	_ =	shalt  }
0x87: {  	_ =	shalt  }
.Lfunc_end0:
.L_simem_size_0:
called_computation_lowered:
.L_overlay_start_0:
0x88: {  	s2 =	sld [smem:$0x3FD9]  }
0x89: {  	s3 =	sld [smem:$0x3FFE];
	_ =	sdelay $0x1  }
0x8a: {  	s1 =	srdreg.scid  }
0x8b: {  	s0 =	sand.u32 $0x1, s1  }
0x8c: {  	s17 =	sshll.u32 s0, $0xA;
	s2 =	sadd.s32 s3, s2  }
0x8d: {  	s2 =	sadd.s32 s2, s17  }
0x8e: {  	[smem:$0x3FC6] =	sst s2  }
0x8f: {  	_ = 	snop  }
0x90: {  	s2 =	sld [smem:$0x3FD0];
	(tm) =	ssettm $0x1  }
0x91: {  	s18 =	sld [smem:$0x3FFB];
	_ =	sdelay $0x3  }
0x92: {  	_ =	strace s18  }
0x93: {  	s3 =	sld [smem:$0x3FFC];
	_ =	sdelay $0x3  }
0x94: {  	_ =	strace s3  }
0x95: {  	s3 =	sld [smem:$0x3FFD];
	_ =	sdelay $0x3  }
0x96: {  	_ =	strace s3  }
0x97: {  	_ =	strace $0x8FFFFFFF  }
0x98: {  	s19 =	sld [smem:$0x3FDB];
	_ =	sdelay $0x1  }
0x99: {  	s4 =	simm.s32 $_scs_section_size  }
0x9a: {  	s5 =	simm.s32 $_size__tile_overlayer_lowered;
	s6 =	simm.s32 $_tile_overlayer_lowered  }
0x9b: {  	s22 =	simm.s32 $0x1BFF;
	s21 =	sshll.u32 s6, $0x1;
	s3 =	sadd.s32 s4, s19  }
0x9c: {  	s7 =	simm.s32 $0x0;
	s20 =	sshll.u32 s5, $0x1;
	s5 =	sadd.s32 s21, s3  }
0x9d: {  	[timem:s7], [sflag:s22] =	dma.local [hbm:s5], s20  }
0x9e: {  	_ =	swait.ge [sflag:s22], s20  }
0x9f: {  	s4 =	ssub.s32 $0x0, s20;
	[sflag:s22] =	ssyncset.done $0x0  }
0xa0: {  	[sflag:s22] =	ssyncadd.s32 s4;
	_ =	sdelay $0x1  }
0xa1: {  	s23 =	simm.s32 $0x1B8B  }
0xa2: {  	_ =	swait.ge [sflag:s23], $0x1  }
0xa3: {  	[sflag:s23] =	ssyncset.done $0x0  }
0xa4: {  	s25 =	simm.s32 $0x1B8E;
	s24 =	sld [smem:$0x3FFE];
	[sflag:s23] =	ssyncadd.s32 $0xFFFFFFFF  }
0xa5: {  	s26 =	simm.s32 $execute0_lowered;
	[smem:$0x3FD2] =	sst s25  }
0xa6: {  	s5 =	sshll.u32 s26, $0x1;
	_ =	strace $0x80000046;
	[dreg:$0x1] =	wrdreg $0xFFFFFFFF  }
0xa7: {  	s28 =	simm.s32 $_size_execute0_lowered;
	s3 =	sadd.s32 s3, s5;
	[dreg:$0x0] =	wrdreg $0x0  }
0xa8: {  	s5 =	sshll.u32 s28, $0x1;
	[dreg:$0x2] =	wrdreg s3  }
0xa9: {  	[dreg:$0x3] =	wrdreg s5  }
0xaa: {  	[dreg:$0x4] =	wrdreg $0xC0  }
0xab: {  	_ =	task [dreg:s7], $0x5FFFF  }
0xac: {  	[dreg:$0x1] =	wrdreg $0xFFFFFFFF  }
0xad: {  	[dreg:$0x0] =	wrdreg $0x60  }
0xae: {  	[dreg:$0x2] =	wrdreg s24  }
0xaf: {  	[dreg:$0x3] =	wrdreg s2  }
0xb0: {  	[dreg:$0x4] =	wrdreg $0x9  }
0xb1: {  	_ =	task.clear_ibuf [dreg:s7], $0x5FFFF;
	_ =	strace $0x90000046  }
0xb2: {  	s29 =	simm.s32 $0x9;
	_ =	strace $0x80000048  }
0xb3: {  	_ =	swait.ge [sflag:s29], $0x1  }
0xb4: {  	[sflag:s29] =	ssyncadd.s32 $0xFFFFFFFF  }
0xb5: {  	_ =	strace $0x90000048  }
0xb6: {  	_ =	sfence  }
0xb7: {  	s30 =	sld [smem:$0x0];
	_ =	sdelay $0x2  }
0xb8: {  	s31 =	sshll.u32 s1, $0xD;
	s1 =	sshrl.u32 s1, $0x2  }
0xb9: {  	s3 =	sand.u32 $0x4000, s31;
	s1 =	sadd.s32 s1, s30  }
0xba: {  	s0 =	sor.u32 s3, s0;
	s1 =	sshll.u32 s1, $0x11  }
0xbb: {  	s0 =	sor.u32 s1, s0  }
0xbc: {  	s0 =	sadd.s32 $0x8F2B, s0  }
0xbd: {  	[sflag:s0] =	ssyncadd.remote.s32 $0x1  }
0xbe: {  	_ =	sfence.sel $0xFFFF  }
0xbf: {  	[dreg:$0x0] =	wrdreg $0xFFFFFFFF;
	(pc) =	sbr.abs _section_cstart, $3  }
0xc0: {  	[dreg:$0x1] =	wrdreg $0xFFFFFFFF  }
0xc1: {  	_ =	task.clear_ibuf [dreg:s7], $0x2FFFF;
	_ =	strace $0x9FFFFFFF  }
0xc2: {  	(tm) =	ssettm $0x7FFFFFFF  }
0xc3: {  	_ =	shalt  }
tec
execute0_lowered:
.L_overlay_start_1:
0x0: {  	(tag) =	ssettag $0x1  }
0x1: {  	v0 =	vimm.s32 $0x1380;
	vm0 =	vcmask $0x300;
	v1 =	vimm.s32 $0x3380  }
0x2: {  	s0 =	rddreg [dreg:$0x0];
	vm1 =	vcmask $0x704;
	v0 =	vsel vm0, $0x0, v0;
	v1 =	vsel vm0, $0x2000, v1  }
0x3: {  	s1 =	srdreg.scid;
	s3 =	stileid.u32;
	vm15 =	vcmask $0xB08;
	v0 =	vsel vm1, $0x80, v0;
	v1 =	vsel vm1, $0x2080, v1  }
0x4: {  	s2 =	rddreg [dreg:$0x1];
	vm4 =	vcmask $0xF0C;
	s14 =	simm.s32 $0x200;
	s16 =	simm.s32 $0x3;
	v0 =	vsel vm15, $0x100, v0;
	v1 =	vsel vm15, $0x2100, v1  }
0x5: {  	vm5 =	vcmask $0x1310;
	s17 =	simm.s32 $0x2;
	s19 =	simm.s32 $0x8400;
	s20 =	simm.s32 $0x9400;
	v0 =	vsel vm4, $0x180, v0;
	v1 =	vsel vm4, $0x2180, v1  }
0x6: {  	vm6 =	vcmask $0x1714;
	s21 =	simm.s32 $0xA400;
	s22 =	simm.s32 $0xB400;
	s23 =	simm.s32 $0x4;
	v0 =	vsel vm5, $0x200, v0;
	v1 =	vsel vm5, $0x2200, v1  }
0x7: {  	vm7 =	vcmask $0x1B18;
	s24 =	simm.s32 $0xC400;
	s25 =	simm.s32 $0xD400;
	s26 =	simm.s32 $0xE400;
	v0 =	vsel vm6, $0x280, v0;
	v1 =	vsel vm6, $0x2280, v1  }
0x8: {  	vm8 =	vcmask $0x1F1C;
	s28 =	simm.s32 $0xF400;
	s29 =	simm.s32 $0x5;
	s30 =	simm.s32 $0x6;
	v0 =	vsel vm7, $0x300, v0;
	v1 =	vsel vm7, $0x2300, v1  }
0x9: {  	vm9 =	vcmask $0x2320;
	s1 =	sand.u32 $0x1, s1;
	s4 =	sshll.u32 s3, $0x1;
	s3 =	simm.s32 $0x0;
	v0 =	vsel vm8, $0x380, v0;
	v1 =	vsel vm8, $0x2380, v1  }
0xa: {  	vm10 =	vcmask $0x2724;
	s8 =	sadd.s32 $0x4000, s2;
	s5 =	sor.u32 s1, s4;
	s1 =	ssub.s32 $0x2, s1;
	v0 =	vsel vm9, $0x1000, v0;
	v1 =	vsel vm9, $0x3000, v1  }
0xb: {  	vm11 =	vcmask $0x2B28;
	s9 =	sadd.s32 $0x8000, s2;
	s6 =	smul.u32 $0x680, s5;
	s7 =	sshrl.u32 s1, $0x1;
	v0 =	vsel vm10, $0x1080, v0;
	v1 =	vsel vm10, $0x3080, v1  }
0xc: {  	vm12 =	vcmask $0x2F2C;
	s10 =	sadd.s32 $0xC000, s2;
	s12 =	sadd.s32 $0x680, s0;
	s1 =	ssub.s32 s1, s7;
	v0 =	vsel vm11, $0x1100, v0;
	v1 =	vsel vm11, $0x3100, v1  }
0xd: {  	vm13 =	vcmask $0x3330;
	[smem:$0x7FF] =	sst s3;
	s6 =	sadd.s32 s6, s0;
	s1 =	smax.u32 s1, $0x1;
	v0 =	vsel vm12, $0x1180, v0;
	v1 =	vsel vm12, $0x3180, v1  }
0xe: {  	vm14 =	vcmask $0x3734;
	_ =	strace $0x80000047;
	s31 =	sadd.s32 $0x600, s6;
	[dreg:$0x5] =	wrdreg s1;
	v0 =	vsel vm13, $0x1200, v0;
	v1 =	vsel vm13, $0x3200, v1  }
0xf: {  	s4 =	sadd.s32 $0xF42A00, s0;
	vm15 =	vcmask $0x3B38;
	s6 =	sadd.s32 $0x640, s6;
	[dreg:$0x3] =	wrdreg s31;
	v0 =	vsel vm14, $0x1280, v0;
	v1 =	vsel vm14, $0x3280, v1  }
0x10: {  	s5 =	smul.u32 $0x1A, s5;
	s1 =	simm.s32 $0x0;
	[dreg:$0x4] =	wrdreg s6;
	v0 =	vsel vm15, $0x1300, v0;
	v1 =	vsel vm15, $0x3300, v1  }
.LBB2_1:
0x11: {  	[dreg:$0x6] =	wrdreg s1  }
0x12: {  	s0 =	rddreg [dreg:$0x3];
	s15 =	simm.s32 $0x1  }
0x13: {  	[tilespmem:s3], [sflag:$0x1] =	stream.linear.gather [hbm4b:s0+s3], $0x200, $0x38;
	[tilespmem:$0x10400] =	vst v63  }
0x14: {  	_ =	swait.ge [sflag:s15], $0x200  }
0x15: {  	[sflag:s15] =	ssyncset.done $0x0  }
0x16: {  	s18 =	simm.s32 $0x400;
	[sflag:s15] =	ssyncadd.s32 $0xFFFFFE00  }
0x17: {  	[tilespmem:s18], [sflag:$0x3] =	stream.indirect.gather [hbm4b:s4+s14], $0x20, s3, s14, $0xb8;
	[tilespmem:$0x10400] =	vst v63  }
0x18: {  	s1 =	simm.s32 $0x0;
	s31 =	rddreg [dreg:$0x4]  }
0x19: {  	[tilespmem:s14], [sflag:$0x2] =	stream.linear.gather [hbm4b:s31+s3], $0x200, $0x38;
	[tilespmem:$0x10400] =	vst v63  }
.LBB2_2:
0x1a: {  	_ =	swait.ge [sflag:s16], $0x4000  }
0x1b: {  	[sflag:s16] =	ssyncset.done $0x0  }
0x1c: {  	[sflag:s16] =	ssyncadd.s32 $0xFFFFC000  }
0x1d: {  	_ =	swait.ge [sflag:s17], $0x200  }
0x1e: {  	s0 =	sshll.u32 s1, $0x1;
	s6 =	simm.s32 $0x4400;
	[sflag:s17] =	ssyncset.done $0x0  }
0x1f: {  	p0 =	seq.s32 s1, $0xC;
	s0 =	sadd.s32 s5, s0;
	[sflag:s17] =	ssyncadd.s32 $0xFFFFFE00  }
0x20: {  	[tilespmem:s6], [sflag:$0x4] =	stream.indirect.gather [hbm4b:s4+s14], $0x20, s14, s14, $0xb8;
	[tilespmem:$0x10400] =	vst v63  }
0x21: {  	p1 =	seq.s32 @!p0 s1, $0x0;
	s6 =	sshll.u32 @!p0 s0, $0x6  }
0x22: {  	s7 =	simm.s32 @!p0 $0x0;
	p1 =	por p0, !p1;
	s6 =	sadd.s32 @!p0 s12, s6  }
0x23: {  	[tilespmem:s7], [sflag:$0x1] =	stream.linear.gather @!p0 [hbm4b:s6+s7], $0x200, $0x38;
	[tilespmem:$0x10400] =	vst v63  }
0x24: {  	_ =	swait.ge @p1 [sflag:s29], $0x1000  }
0x25: {  	[sflag:s29] =	ssyncset.done @p1 $0x0  }
0x26: {  	[sflag:s29] =	ssyncadd.s32 @p1 $0xFFFFF000  }
0x27: {  	_ =	swait.ge @p1 [sflag:s29], $0x1000  }
0x28: {  	[sflag:s29] =	ssyncset.done @p1 $0x0  }
0x29: {  	[sflag:s29] =	ssyncadd.s32 @p1 $0xFFFFF000  }
0x2a: {  	_ =	swait.ge @p1 [sflag:s29], $0x1000  }
0x2b: {  	[sflag:s29] =	ssyncset.done @p1 $0x0  }
0x2c: {  	[sflag:s29] =	ssyncadd.s32 @p1 $0xFFFFF000  }
0x2d: {  	s15 =	simm.s32 $0x0;
	_ =	swait.ge @p1 [sflag:s29], $0x1000  }
0x2e: {  	s18 =	sand.u32 $0xC00, s15;
	s11 =	sand.u32 $0x78, s15;
	[sflag:s29] =	ssyncset.done @p1 $0x0  }
0x2f: {  	s6 =	simm.s32 $0x480;
	s7 =	sor.u32 s11, s18;
	[sflag:s29] =	ssyncadd.s32 @p1 $0xFFFFF000  }
0x30: {  	v2 =	vor.u32 s7, v0;
	v3 =	vld [tilespmem:s6+$0xFFFFFF80];
	_ =	sdelay $0x4  }
0x31: {  	[tilespmem:v2+s19+$0x0] =	vst.idx.msk $0xffff, v3  }
0x32: {  	v3 =	vor.u32 s7, v1;
	v2 =	vld [tilespmem:s6+$0xFFFFFF90];
	_ =	sdelay $0x4  }
0x33: {  	s11 =	sor.u32 $0x1, s7;
	[tilespmem:v3+s19+$0x0] =	vst.idx.msk $0xffff, v2  }
0x34: {  	v2 =	vor.u32 s11, v0;
	v3 =	vld [tilespmem:s6+$0xFFFFFFA0];
	_ =	sdelay $0x4  }
0x35: {  	[tilespmem:v2+s19+$0x0] =	vst.idx.msk $0xffff, v3  }
0x36: {  	v3 =	vor.u32 s11, v1;
	v2 =	vld [tilespmem:s6+$0xFFFFFFB0];
	_ =	sdelay $0x4  }
0x37: {  	s13 =	sor.u32 $0x2, s7;
	[tilespmem:v3+s19+$0x0] =	vst.idx.msk $0xffff, v2  }
0x38: {  	v2 =	vor.u32 s13, v0;
	v3 =	vld [tilespmem:s6+$0xFFFFFFC0];
	_ =	sdelay $0x4  }
0x39: {  	[tilespmem:v2+s19+$0x0] =	vst.idx.msk $0xffff, v3  }
0x3a: {  	v3 =	vor.u32 s13, v1;
	v2 =	vld [tilespmem:s6+$0xFFFFFFD0];
	_ =	sdelay $0x4  }
0x3b: {  	s15 =	sor.u32 $0x3, s7;
	[tilespmem:v3+s19+$0x0] =	vst.idx.msk $0xffff, v2  }
0x3c: {  	v2 =	vor.u32 s15, v0;
	v3 =	vld [tilespmem:s6+$0xFFFFFFE0];
	_ =	sdelay $0x4  }
0x3d: {  	[tilespmem:v2+s19+$0x0] =	vst.idx.msk $0xffff, v3  }
0x3e: {  	v3 =	vor.u32 s15, v1;
	v2 =	vld [tilespmem:s6+$0xFFFFFFF0];
	_ =	sdelay $0x4  }
0x3f: {  	s18 =	sor.u32 $0x4, s7;
	[tilespmem:v3+s19+$0x0] =	vst.idx.msk $0xffff, v2  }
0x40: {  	v2 =	vor.u32 s18, v0;
	v3 =	vld [tilespmem:s6+$0x0];
	_ =	sdelay $0x4  }
0x41: {  	[tilespmem:v2+s19+$0x0] =	vst.idx.msk $0xffff, v3  }
0x42: {  	v3 =	vor.u32 s18, v1;
	v2 =	vld [tilespmem:s6+$0x10];
	_ =	sdelay $0x4  }
0x43: {  	s13 =	sor.u32 $0x5, s7;
	[tilespmem:v3+s19+$0x0] =	vst.idx.msk $0xffff, v2  }
0x44: {  	v2 =	vor.u32 s13, v0;
	v3 =	vld [tilespmem:s6+$0x20];
	_ =	sdelay $0x4  }
0x45: {  	[tilespmem:v2+s19+$0x0] =	vst.idx.msk $0xffff, v3  }
0x46: {  	v3 =	vor.u32 s13, v1;
	v2 =	vld [tilespmem:s6+$0x30];
	_ =	sdelay $0x4  }
0x47: {  	s15 =	sor.u32 $0x6, s7;
	[tilespmem:v3+s19+$0x0] =	vst.idx.msk $0xffff, v2  }
0x48: {  	v2 =	vor.u32 s15, v0;
	v3 =	vld [tilespmem:s6+$0x40];
	_ =	sdelay $0x4  }
0x49: {  	[tilespmem:v2+s19+$0x0] =	vst.idx.msk $0xffff, v3  }
0x4a: {  	v3 =	vor.u32 s15, v1;
	v2 =	vld [tilespmem:s6+$0x50];
	_ =	sdelay $0x4  }
0x4b: {  	s18 =	sor.u32 $0x7, s7;
	[tilespmem:v3+s19+$0x0] =	vst.idx.msk $0xffff, v2  }
0x4c: {  	v2 =	vor.u32 s18, v0;
	v3 =	vld [tilespmem:s6+$0x60];
	_ =	sdelay $0x4  }
0x4d: {  	[tilespmem:v2+s19+$0x0] =	vst.idx.msk $0xffff, v3  }
0x4e: {  	v3 =	vor.u32 s18, v1;
	v2 =	vld [tilespmem:s6+$0x70];
	_ =	sdelay $0x1  }
0x4f: {  	s31 =	simm.s32 $0x8  }
0x50: {  	s31 =	sand.u32 $0x78, s31;
	s7 =	simm.s32 $0x40  }
0x51: {  	s11 =	simm.s32 $0x10;
	s13 =	sand.u32 $0xC00, s7;
	s15 =	sshllo.u32 s1, $0x1  }
.LBB2_3:
0x52: {  	p2 =	sne.s32 s11, $0x1F8;
	s13 =	sor.u32 s31, s13;
	[tilespmem:v3+s19+$0x0] =	vst.idx.msk $0xffff, v2;
	s6 =	sadd.s32 $0x100, s6  }
0x53: {  	v2 =	vor.u32 s13, v0;
	v3 =	vld [tilespmem:s6+$0xFFFFFF80];
	_ =	sdelay $0x4  }
0x54: {  	[tilespmem:v2+s19+$0x0] =	vst.idx.msk $0xffff, v3  }
0x55: {  	v3 =	vor.u32 s13, v1;
	v2 =	vld [tilespmem:s6+$0xFFFFFF90];
	_ =	sdelay $0x4  }
0x56: {  	s31 =	sor.u32 $0x1, s13;
	[tilespmem:v3+s19+$0x0] =	vst.idx.msk $0xffff, v2  }
0x57: {  	v2 =	vor.u32 s31, v0;
	v3 =	vld [tilespmem:s6+$0xFFFFFFA0];
	_ =	sdelay $0x4  }
0x58: {  	[tilespmem:v2+s19+$0x0] =	vst.idx.msk $0xffff, v3  }
0x59: {  	v3 =	vor.u32 s31, v1;
	v2 =	vld [tilespmem:s6+$0xFFFFFFB0];
	_ =	sdelay $0x4  }
0x5a: {  	s31 =	sor.u32 $0x2, s13;
	[tilespmem:v3+s19+$0x0] =	vst.idx.msk $0xffff, v2  }
0x5b: {  	v2 =	vor.u32 s31, v0;
	v3 =	vld [tilespmem:s6+$0xFFFFFFC0];
	_ =	sdelay $0x4  }
0x5c: {  	[tilespmem:v2+s19+$0x0] =	vst.idx.msk $0xffff, v3  }
0x5d: {  	v3 =	vor.u32 s31, v1;
	v2 =	vld [tilespmem:s6+$0xFFFFFFD0];
	_ =	sdelay $0x4  }
0x5e: {  	s31 =	sor.u32 $0x3, s13;
	[tilespmem:v3+s19+$0x0] =	vst.idx.msk $0xffff, v2  }
0x5f: {  	v2 =	vor.u32 s31, v0;
	v3 =	vld [tilespmem:s6+$0xFFFFFFE0];
	_ =	sdelay $0x4  }
0x60: {  	[tilespmem:v2+s19+$0x0] =	vst.idx.msk $0xffff, v3  }
0x61: {  	v3 =	vor.u32 s31, v1;
	v2 =	vld [tilespmem:s6+$0xFFFFFFF0];
	_ =	sdelay $0x4  }
0x62: {  	s31 =	sor.u32 $0x4, s13;
	[tilespmem:v3+s19+$0x0] =	vst.idx.msk $0xffff, v2  }
0x63: {  	v2 =	vor.u32 s31, v0;
	v3 =	vld [tilespmem:s6+$0x0];
	_ =	sdelay $0x4  }
0x64: {  	[tilespmem:v2+s19+$0x0] =	vst.idx.msk $0xffff, v3  }
0x65: {  	v3 =	vor.u32 s31, v1;
	v2 =	vld [tilespmem:s6+$0x10];
	_ =	sdelay $0x4  }
0x66: {  	s31 =	sor.u32 $0x5, s13;
	[tilespmem:v3+s19+$0x0] =	vst.idx.msk $0xffff, v2  }
0x67: {  	v2 =	vor.u32 s31, v0;
	v3 =	vld [tilespmem:s6+$0x20];
	_ =	sdelay $0x4  }
0x68: {  	[tilespmem:v2+s19+$0x0] =	vst.idx.msk $0xffff, v3  }
0x69: {  	v3 =	vor.u32 s31, v1;
	v2 =	vld [tilespmem:s6+$0x30];
	_ =	sdelay $0x4  }
0x6a: {  	s31 =	sor.u32 $0x6, s13;
	[tilespmem:v3+s19+$0x0] =	vst.idx.msk $0xffff, v2  }
0x6b: {  	v2 =	vor.u32 s31, v0;
	v3 =	vld [tilespmem:s6+$0x40];
	_ =	sdelay $0x4  }
0x6c: {  	[tilespmem:v2+s19+$0x0] =	vst.idx.msk $0xffff, v3  }
0x6d: {  	v3 =	vor.u32 s31, v1;
	v2 =	vld [tilespmem:s6+$0x50];
	_ =	sdelay $0x4  }
0x6e: {  	s13 =	sor.u32 $0x7, s13;
	[tilespmem:v3+s19+$0x0] =	vst.idx.msk $0xffff, v2  }
0x6f: {  	v2 =	vor.u32 s13, v0;
	v3 =	vld [tilespmem:s6+$0x60];
	_ =	sdelay $0x4  }
0x70: {  	[tilespmem:v2+s19+$0x0] =	vst.idx.msk $0xffff, v3  }
.Ltmp0:
0x71: {  	v3 =	vor.u32 s13, v1;
	v2 =	vld [tilespmem:s6+$0x70];
	(pc) =	sbr.rel @p2 .LBB2_3-.Ltmp0, $3  }
0x72: {  	_ =	sdelay $0x1  }
0x73: {  	s7 =	sadd.s32 $0x40, s7  }
0x74: {  	s31 =	sand.u32 $0x78, s11;
	s11 =	sadd.s32 $0x8, s11;
	s13 =	sand.u32 $0xC00, s7  }
0x75: {  	_ =	sdelay $0x3  }
0x76: {  	s7 =	sor.u32 s31, s13;
	[tilespmem:v3+s19+$0x0] =	vst.idx.msk $0xffff, v2;
	s6 =	sadd.s32 $0x100, s6  }
0x77: {  	v2 =	vor.u32 s7, v0;
	v3 =	vld [tilespmem:s6+$0xFFFFFF80];
	_ =	sdelay $0x4  }
0x78: {  	[tilespmem:v2+s19+$0x0] =	vst.idx.msk $0xffff, v3  }
0x79: {  	v3 =	vor.u32 s7, v1;
	v2 =	vld [tilespmem:s6+$0xFFFFFF90];
	_ =	sdelay $0x4  }
0x7a: {  	s11 =	sor.u32 $0x1, s7;
	[tilespmem:v3+s19+$0x0] =	vst.idx.msk $0xffff, v2  }
0x7b: {  	v2 =	vor.u32 s11, v0;
	v3 =	vld [tilespmem:s6+$0xFFFFFFA0];
	_ =	sdelay $0x4  }
0x7c: {  	[tilespmem:v2+s19+$0x0] =	vst.idx.msk $0xffff, v3  }
0x7d: {  	v3 =	vor.u32 s11, v1;
	v2 =	vld [tilespmem:s6+$0xFFFFFFB0];
	_ =	sdelay $0x4  }
0x7e: {  	s18 =	sor.u32 $0x2, s7;
	[tilespmem:v3+s19+$0x0] =	vst.idx.msk $0xffff, v2  }
0x7f: {  	v2 =	vor.u32 s18, v0;
	v3 =	vld [tilespmem:s6+$0xFFFFFFC0];
	_ =	sdelay $0x4  }
0x80: {  	[tilespmem:v2+s19+$0x0] =	vst.idx.msk $0xffff, v3  }
0x81: {  	v3 =	vor.u32 s18, v1;
	v2 =	vld [tilespmem:s6+$0xFFFFFFD0];
	_ =	sdelay $0x4  }
0x82: {  	s13 =	sor.u32 $0x3, s7;
	[tilespmem:v3+s19+$0x0] =	vst.idx.msk $0xffff, v2  }
0x83: {  	v2 =	vor.u32 s13, v0;
	v3 =	vld [tilespmem:s6+$0xFFFFFFE0];
	_ =	sdelay $0x4  }
0x84: {  	[tilespmem:v2+s19+$0x0] =	vst.idx.msk $0xffff, v3  }
0x85: {  	v3 =	vor.u32 s13, v1;
	v2 =	vld [tilespmem:s6+$0xFFFFFFF0];
	_ =	sdelay $0x4  }
0x86: {  	s18 =	sor.u32 $0x4, s7;
	[tilespmem:v3+s19+$0x0] =	vst.idx.msk $0xffff, v2  }
0x87: {  	v2 =	vor.u32 s18, v0;
	v3 =	vld [tilespmem:s6+$0x0];
	_ =	sdelay $0x4  }
0x88: {  	[tilespmem:v2+s19+$0x0] =	vst.idx.msk $0xffff, v3  }
0x89: {  	v3 =	vor.u32 s18, v1;
	v2 =	vld [tilespmem:s6+$0x10];
	_ =	sdelay $0x4  }
0x8a: {  	s13 =	sor.u32 $0x5, s7;
	[tilespmem:v3+s19+$0x0] =	vst.idx.msk $0xffff, v2  }
0x8b: {  	v2 =	vor.u32 s13, v0;
	v3 =	vld [tilespmem:s6+$0x20];
	_ =	sdelay $0x4  }
0x8c: {  	[tilespmem:v2+s19+$0x0] =	vst.idx.msk $0xffff, v3  }
0x8d: {  	v3 =	vor.u32 s13, v1;
	v2 =	vld [tilespmem:s6+$0x30];
	_ =	sdelay $0x4  }
0x8e: {  	s18 =	sor.u32 $0x6, s7;
	[tilespmem:v3+s19+$0x0] =	vst.idx.msk $0xffff, v2  }
0x8f: {  	v2 =	vor.u32 s18, v0;
	v3 =	vld [tilespmem:s6+$0x40];
	_ =	sdelay $0x4  }
0x90: {  	[tilespmem:v2+s19+$0x0] =	vst.idx.msk $0xffff, v3  }
0x91: {  	v3 =	vor.u32 s18, v1;
	v2 =	vld [tilespmem:s6+$0x50];
	_ =	sdelay $0x4  }
0x92: {  	s7 =	sor.u32 $0x7, s7;
	[tilespmem:v3+s19+$0x0] =	vst.idx.msk $0xffff, v2  }
0x93: {  	v2 =	vor.u32 s7, v0;
	v3 =	vld [tilespmem:s6+$0x60];
	_ =	sdelay $0x4  }
0x94: {  	[tilespmem:v2+s19+$0x0] =	vst.idx.msk $0xffff, v3  }
0x95: {  	v3 =	vor.u32 s7, v1;
	v2 =	vld [tilespmem:s6+$0x70];
	_ =	sdelay $0x1  }
0x96: {  	s11 =	sshll.u32 s0, $0xB;
	s7 =	sshll.u32 s0, $0x9  }
0x97: {  	s0 =	sand.u32 $0xFFF0000, s11;
	s6 =	sand.u32 $0x3C00, s7  }
0x98: {  	s0 =	sor.u32 s6, s0  }
0x99: {  	s6 =	sadd.s32 s2, s0;
	[tilespmem:v3+s19+$0x0] =	vst.idx.msk $0xffff, v2  }
0x9a: {  	[hbm4b:s6+s3] =	stream.linear.scatter [tilespmem:s19], [sflag:$0x5], $0x1000, $0x38;
	[tilespmem:$0x10400] =	vst v63  }
0x9b: {  	s13 =	sadd.s32 s0, s8  }
0x9c: {  	[hbm4b:s13+s3] =	stream.linear.scatter [tilespmem:s20], [sflag:$0x5], $0x1000, $0x38;
	[tilespmem:$0x10400] =	vst v63  }
0x9d: {  	s18 =	sadd.s32 s0, s9  }
0x9e: {  	[hbm4b:s18+s3] =	stream.linear.scatter [tilespmem:s21], [sflag:$0x5], $0x1000, $0x38;
	[tilespmem:$0x10400] =	vst v63  }
0x9f: {  	s0 =	sadd.s32 s0, s10  }
0xa0: {  	[hbm4b:s0+s3] =	stream.linear.scatter [tilespmem:s22], [sflag:$0x5], $0x1000, $0x38;
	[tilespmem:$0x10400] =	vst v63  }
0xa1: {  	_ =	swait.ge [sflag:s23], $0x4000  }
0xa2: {  	[sflag:s23] =	ssyncset.done $0x0  }
0xa3: {  	s6 =	simm.s32 @!p0 $0x1;
	[sflag:s23] =	ssyncadd.s32 $0xFFFFC000  }
0xa4: {  	_ =	swait.ge @!p0 [sflag:s6], $0x200  }
0xa5: {  	s11 =	simm.s32 @!p0 $0x400;
	s7 =	simm.s32 @!p0 $0x0;
	[sflag:s6] =	ssyncset.done @!p0 $0x0  }
0xa6: {  	s0 =	sadd.s32 s5, s15;
	[sflag:s6] =	ssyncadd.s32 @!p0 $0xFFFFFE00;
	s6 =	simm.s32 @!p0 $0x200  }
0xa7: {  	[tilespmem:s11], [sflag:$0x3] =	stream.indirect.gather @!p0 [hbm4b:s4+s6], $0x20, s7, s6, $0xb8;
	[tilespmem:$0x10400] =	vst v63  }
0xa8: {  	s11 =	sshll.u32 @!p0 s0, $0x6  }
0xa9: {  	s11 =	sadd.s32 @!p0 s12, s11  }
0xaa: {  	[tilespmem:s6], [sflag:$0x2] =	stream.linear.gather @!p0 [hbm4b:s11+s7], $0x200, $0x38;
	[tilespmem:$0x10400] =	vst v63  }
0xab: {  	_ =	swait.ge @p1 [sflag:s30], $0x1000  }
0xac: {  	[sflag:s30] =	ssyncset.done @p1 $0x0  }
0xad: {  	[sflag:s30] =	ssyncadd.s32 @p1 $0xFFFFF000  }
0xae: {  	_ =	swait.ge @p1 [sflag:s30], $0x1000  }
0xaf: {  	[sflag:s30] =	ssyncset.done @p1 $0x0  }
0xb0: {  	[sflag:s30] =	ssyncadd.s32 @p1 $0xFFFFF000  }
0xb1: {  	_ =	swait.ge @p1 [sflag:s30], $0x1000  }
0xb2: {  	[sflag:s30] =	ssyncset.done @p1 $0x0  }
0xb3: {  	[sflag:s30] =	ssyncadd.s32 @p1 $0xFFFFF000  }
0xb4: {  	s7 =	simm.s32 $0x0;
	_ =	swait.ge @p1 [sflag:s30], $0x1000  }
0xb5: {  	s11 =	sand.u32 $0xC00, s7;
	s6 =	sand.u32 $0x78, s7;
	[sflag:s30] =	ssyncset.done @p1 $0x0  }
0xb6: {  	s6 =	sor.u32 s6, s11;
	s11 =	simm.s32 $0x0;
	[sflag:s30] =	ssyncadd.s32 @p1 $0xFFFFF000  }
0xb7: {  	v2 =	vor.u32 s6, v0;
	v3 =	vld [tilespmem:s11+$0x4400];
	_ =	sdelay $0x4  }
0xb8: {  	[tilespmem:v2+s24+$0x0] =	vst.idx.msk $0xffff, v3  }
0xb9: {  	v3 =	vor.u32 s6, v1;
	v2 =	vld [tilespmem:s11+$0x4410];
	_ =	sdelay $0x4  }
0xba: {  	s7 =	sor.u32 $0x1, s6;
	[tilespmem:v3+s24+$0x0] =	vst.idx.msk $0xffff, v2  }
0xbb: {  	v2 =	vor.u32 s7, v0;
	v3 =	vld [tilespmem:s11+$0x4420];
	_ =	sdelay $0x4  }
0xbc: {  	[tilespmem:v2+s24+$0x0] =	vst.idx.msk $0xffff, v3  }
0xbd: {  	v3 =	vor.u32 s7, v1;
	v2 =	vld [tilespmem:s11+$0x4430];
	_ =	sdelay $0x4  }
0xbe: {  	s13 =	sor.u32 $0x2, s6;
	[tilespmem:v3+s24+$0x0] =	vst.idx.msk $0xffff, v2  }
0xbf: {  	v2 =	vor.u32 s13, v0;
	v3 =	vld [tilespmem:s11+$0x4440];
	_ =	sdelay $0x4  }
0xc0: {  	[tilespmem:v2+s24+$0x0] =	vst.idx.msk $0xffff, v3  }
0xc1: {  	v3 =	vor.u32 s13, v1;
	v2 =	vld [tilespmem:s11+$0x4450];
	_ =	sdelay $0x4  }
0xc2: {  	s15 =	sor.u32 $0x3, s6;
	[tilespmem:v3+s24+$0x0] =	vst.idx.msk $0xffff, v2  }
0xc3: {  	v2 =	vor.u32 s15, v0;
	v3 =	vld [tilespmem:s11+$0x4460];
	_ =	sdelay $0x4  }
0xc4: {  	[tilespmem:v2+s24+$0x0] =	vst.idx.msk $0xffff, v3  }
0xc5: {  	v3 =	vor.u32 s15, v1;
	v2 =	vld [tilespmem:s11+$0x4470];
	_ =	sdelay $0x4  }
0xc6: {  	s18 =	sor.u32 $0x4, s6;
	[tilespmem:v3+s24+$0x0] =	vst.idx.msk $0xffff, v2  }
0xc7: {  	v2 =	vor.u32 s18, v0;
	v3 =	vld [tilespmem:s11+$0x4480];
	_ =	sdelay $0x4  }
0xc8: {  	[tilespmem:v2+s24+$0x0] =	vst.idx.msk $0xffff, v3  }
0xc9: {  	v3 =	vor.u32 s18, v1;
	v2 =	vld [tilespmem:s11+$0x4490];
	_ =	sdelay $0x4  }
0xca: {  	s13 =	sor.u32 $0x5, s6;
	[tilespmem:v3+s24+$0x0] =	vst.idx.msk $0xffff, v2  }
0xcb: {  	v2 =	vor.u32 s13, v0;
	v3 =	vld [tilespmem:s11+$0x44A0];
	_ =	sdelay $0x4  }
0xcc: {  	[tilespmem:v2+s24+$0x0] =	vst.idx.msk $0xffff, v3  }
0xcd: {  	v3 =	vor.u32 s13, v1;
	v2 =	vld [tilespmem:s11+$0x44B0];
	_ =	sdelay $0x4  }
0xce: {  	s15 =	sor.u32 $0x6, s6;
	[tilespmem:v3+s24+$0x0] =	vst.idx.msk $0xffff, v2  }
0xcf: {  	v2 =	vor.u32 s15, v0;
	v3 =	vld [tilespmem:s11+$0x44C0];
	_ =	sdelay $0x4  }
0xd0: {  	[tilespmem:v2+s24+$0x0] =	vst.idx.msk $0xffff, v3  }
0xd1: {  	v3 =	vor.u32 s15, v1;
	v2 =	vld [tilespmem:s11+$0x44D0];
	_ =	sdelay $0x4  }
0xd2: {  	s18 =	sor.u32 $0x7, s6;
	[tilespmem:v3+s24+$0x0] =	vst.idx.msk $0xffff, v2  }
0xd3: {  	v2 =	vor.u32 s18, v0;
	v3 =	vld [tilespmem:s11+$0x44E0];
	_ =	sdelay $0x4  }
0xd4: {  	[tilespmem:v2+s24+$0x0] =	vst.idx.msk $0xffff, v3  }
0xd5: {  	v3 =	vor.u32 s18, v1;
	v2 =	vld [tilespmem:s11+$0x44F0];
	_ =	sdelay $0x1  }
0xd6: {  	s7 =	simm.s32 $0x8  }
0xd7: {  	s31 =	sand.u32 $0x78, s7;
	s6 =	simm.s32 $0x40  }
0xd8: {  	s13 =	sand.u32 $0xC00, s6;
	s15 =	simm.s32 $0x400;
	s11 =	simm.s32 $0x800  }
.LBB2_5:
0xd9: {  	p0 =	sne.s32 s11, $0xFC00;
	s31 =	sor.u32 s31, s13;
	s13 =	sshra.s32 s15, $0x2;
	[tilespmem:v3+s24+$0x0] =	vst.idx.msk $0xffff, v2  }
0xda: {  	s15 =	smov.u32 s11;
	v2 =	vor.u32 s31, v0;
	v3 =	vld [tilespmem:s13+$0x4400];
	_ =	sdelay $0x4  }
0xdb: {  	[tilespmem:v2+s24+$0x0] =	vst.idx.msk $0xffff, v3  }
0xdc: {  	v3 =	vor.u32 s31, v1;
	v2 =	vld [tilespmem:s13+$0x4410];
	_ =	sdelay $0x4  }
0xdd: {  	s18 =	sor.u32 $0x1, s31;
	[tilespmem:v3+s24+$0x0] =	vst.idx.msk $0xffff, v2  }
0xde: {  	v2 =	vor.u32 s18, v0;
	v3 =	vld [tilespmem:s13+$0x4420];
	_ =	sdelay $0x4  }
0xdf: {  	[tilespmem:v2+s24+$0x0] =	vst.idx.msk $0xffff, v3  }
0xe0: {  	v3 =	vor.u32 s18, v1;
	v2 =	vld [tilespmem:s13+$0x4430];
	_ =	sdelay $0x4  }
0xe1: {  	s18 =	sor.u32 $0x2, s31;
	[tilespmem:v3+s24+$0x0] =	vst.idx.msk $0xffff, v2  }
0xe2: {  	v2 =	vor.u32 s18, v0;
	v3 =	vld [tilespmem:s13+$0x4440];
	_ =	sdelay $0x4  }
0xe3: {  	[tilespmem:v2+s24+$0x0] =	vst.idx.msk $0xffff, v3  }
0xe4: {  	v3 =	vor.u32 s18, v1;
	v2 =	vld [tilespmem:s13+$0x4450];
	_ =	sdelay $0x4  }
0xe5: {  	s18 =	sor.u32 $0x3, s31;
	[tilespmem:v3+s24+$0x0] =	vst.idx.msk $0xffff, v2  }
0xe6: {  	v2 =	vor.u32 s18, v0;
	v3 =	vld [tilespmem:s13+$0x4460];
	_ =	sdelay $0x4  }
0xe7: {  	[tilespmem:v2+s24+$0x0] =	vst.idx.msk $0xffff, v3  }
0xe8: {  	v3 =	vor.u32 s18, v1;
	v2 =	vld [tilespmem:s13+$0x4470];
	_ =	sdelay $0x4  }
0xe9: {  	s18 =	sor.u32 $0x4, s31;
	[tilespmem:v3+s24+$0x0] =	vst.idx.msk $0xffff, v2  }
0xea: {  	v2 =	vor.u32 s18, v0;
	v3 =	vld [tilespmem:s13+$0x4480];
	_ =	sdelay $0x4  }
0xeb: {  	[tilespmem:v2+s24+$0x0] =	vst.idx.msk $0xffff, v3  }
0xec: {  	v3 =	vor.u32 s18, v1;
	v2 =	vld [tilespmem:s13+$0x4490];
	_ =	sdelay $0x4  }
0xed: {  	s18 =	sor.u32 $0x5, s31;
	[tilespmem:v3+s24+$0x0] =	vst.idx.msk $0xffff, v2  }
0xee: {  	v2 =	vor.u32 s18, v0;
	v3 =	vld [tilespmem:s13+$0x44A0];
	_ =	sdelay $0x4  }
0xef: {  	[tilespmem:v2+s24+$0x0] =	vst.idx.msk $0xffff, v3  }
0xf0: {  	v3 =	vor.u32 s18, v1;
	v2 =	vld [tilespmem:s13+$0x44B0];
	_ =	sdelay $0x4  }
0xf1: {  	s18 =	sor.u32 $0x6, s31;
	[tilespmem:v3+s24+$0x0] =	vst.idx.msk $0xffff, v2  }
0xf2: {  	v2 =	vor.u32 s18, v0;
	v3 =	vld [tilespmem:s13+$0x44C0];
	_ =	sdelay $0x4  }
0xf3: {  	[tilespmem:v2+s24+$0x0] =	vst.idx.msk $0xffff, v3  }
0xf4: {  	v3 =	vor.u32 s18, v1;
	v2 =	vld [tilespmem:s13+$0x44D0];
	_ =	sdelay $0x4  }
0xf5: {  	s18 =	sor.u32 $0x7, s31;
	[tilespmem:v3+s24+$0x0] =	vst.idx.msk $0xffff, v2  }
0xf6: {  	v2 =	vor.u32 s18, v0;
	v3 =	vld [tilespmem:s13+$0x44E0];
	_ =	sdelay $0x4  }
0xf7: {  	[tilespmem:v2+s24+$0x0] =	vst.idx.msk $0xffff, v3  }
.Ltmp1:
0xf8: {  	v3 =	vor.u32 s18, v1;
	v2 =	vld [tilespmem:s13+$0x44F0];
	(pc) =	sbr.rel @p0 .LBB2_5-.Ltmp1, $3  }
0xf9: {  	_ =	sdelay $0x1  }
0xfa: {  	s6 =	sadd.s32 $0x40, s6;
	s7 =	sadd.s32 $0x8, s7  }
0xfb: {  	s11 =	sadd.s32 $0x400, s11;
	s31 =	sand.u32 $0x78, s7;
	s13 =	sand.u32 $0xC00, s6  }
0xfc: {  	_ =	sdelay $0x3  }
0xfd: {  	s6 =	sor.u32 s31, s13;
	s7 =	sshra.s32 s15, $0x2;
	[tilespmem:v3+s24+$0x0] =	vst.idx.msk $0xffff, v2  }
0xfe: {  	v2 =	vor.u32 s6, v0;
	v3 =	vld [tilespmem:s7+$0x4400];
	_ =	sdelay $0x4  }
0xff: {  	[tilespmem:v2+s24+$0x0] =	vst.idx.msk $0xffff, v3  }
0x100: {  	v3 =	vor.u32 s6, v1;
	v2 =	vld [tilespmem:s7+$0x4410];
	_ =	sdelay $0x4  }
0x101: {  	s11 =	sor.u32 $0x1, s6;
	[tilespmem:v3+s24+$0x0] =	vst.idx.msk $0xffff, v2  }
0x102: {  	v2 =	vor.u32 s11, v0;
	v3 =	vld [tilespmem:s7+$0x4420];
	_ =	sdelay $0x4  }
0x103: {  	[tilespmem:v2+s24+$0x0] =	vst.idx.msk $0xffff, v3  }
0x104: {  	v3 =	vor.u32 s11, v1;
	v2 =	vld [tilespmem:s7+$0x4430];
	_ =	sdelay $0x4  }
0x105: {  	s31 =	sor.u32 $0x2, s6;
	[tilespmem:v3+s24+$0x0] =	vst.idx.msk $0xffff, v2  }
0x106: {  	v2 =	vor.u32 s31, v0;
	v3 =	vld [tilespmem:s7+$0x4440];
	_ =	sdelay $0x4  }
0x107: {  	[tilespmem:v2+s24+$0x0] =	vst.idx.msk $0xffff, v3  }
0x108: {  	v3 =	vor.u32 s31, v1;
	v2 =	vld [tilespmem:s7+$0x4450];
	_ =	sdelay $0x4  }
0x109: {  	s13 =	sor.u32 $0x3, s6;
	[tilespmem:v3+s24+$0x0] =	vst.idx.msk $0xffff, v2  }
0x10a: {  	v2 =	vor.u32 s13, v0;
	v3 =	vld [tilespmem:s7+$0x4460];
	_ =	sdelay $0x4  }
0x10b: {  	[tilespmem:v2+s24+$0x0] =	vst.idx.msk $0xffff, v3  }
0x10c: {  	v3 =	vor.u32 s13, v1;
	v2 =	vld [tilespmem:s7+$0x4470];
	_ =	sdelay $0x4  }
0x10d: {  	s15 =	sor.u32 $0x4, s6;
	[tilespmem:v3+s24+$0x0] =	vst.idx.msk $0xffff, v2  }
0x10e: {  	v2 =	vor.u32 s15, v0;
	v3 =	vld [tilespmem:s7+$0x4480];
	_ =	sdelay $0x4  }
0x10f: {  	[tilespmem:v2+s24+$0x0] =	vst.idx.msk $0xffff, v3  }
0x110: {  	v3 =	vor.u32 s15, v1;
	v2 =	vld [tilespmem:s7+$0x4490];
	_ =	sdelay $0x4  }
0x111: {  	s18 =	sor.u32 $0x5, s6;
	[tilespmem:v3+s24+$0x0] =	vst.idx.msk $0xffff, v2  }
0x112: {  	v2 =	vor.u32 s18, v0;
	v3 =	vld [tilespmem:s7+$0x44A0];
	_ =	sdelay $0x4  }
0x113: {  	[tilespmem:v2+s24+$0x0] =	vst.idx.msk $0xffff, v3  }
0x114: {  	v3 =	vor.u32 s18, v1;
	v2 =	vld [tilespmem:s7+$0x44B0];
	_ =	sdelay $0x4  }
0x115: {  	s31 =	sor.u32 $0x6, s6;
	[tilespmem:v3+s24+$0x0] =	vst.idx.msk $0xffff, v2  }
0x116: {  	v2 =	vor.u32 s31, v0;
	v3 =	vld [tilespmem:s7+$0x44C0];
	_ =	sdelay $0x4  }
0x117: {  	[tilespmem:v2+s24+$0x0] =	vst.idx.msk $0xffff, v3  }
0x118: {  	v3 =	vor.u32 s31, v1;
	v2 =	vld [tilespmem:s7+$0x44D0];
	_ =	sdelay $0x4  }
0x119: {  	s6 =	sor.u32 $0x7, s6;
	[tilespmem:v3+s24+$0x0] =	vst.idx.msk $0xffff, v2  }
0x11a: {  	v2 =	vor.u32 s6, v0;
	v3 =	vld [tilespmem:s7+$0x44E0];
	_ =	sdelay $0x4  }
0x11b: {  	[tilespmem:v2+s24+$0x0] =	vst.idx.msk $0xffff, v3  }
0x11c: {  	v3 =	vor.u32 s6, v1;
	v2 =	vld [tilespmem:s7+$0x44F0];
	_ =	sdelay $0x1  }
0x11d: {  	s13 =	sshll.u32 s0, $0x9;
	s15 =	sshll.u32 s0, $0xB  }
0x11e: {  	s0 =	sand.u32 $0xFFF0000, s15;
	s6 =	sand.u32 $0x3E00, s13  }
0x11f: {  	s0 =	sor.u32 s6, s0  }
0x120: {  	s1 =	sadd.s32 $0x1, s1;
	s6 =	sadd.s32 s2, s0;
	[tilespmem:v3+s24+$0x0] =	vst.idx.msk $0xffff, v2  }
0x121: {  	[hbm4b:s6+s3] =	stream.linear.scatter [tilespmem:s24], [sflag:$0x6], $0x1000, $0x38;
	[tilespmem:$0x10400] =	vst v63  }
0x122: {  	p0 =	sne.s32 s1, $0xD;
	s18 =	sadd.s32 s0, s8  }
0x123: {  	[hbm4b:s18+s3] =	stream.linear.scatter [tilespmem:s25], [sflag:$0x6], $0x1000, $0x38;
	[tilespmem:$0x10400] =	vst v63  }
.Ltmp2:
0x124: {  	_ = 	snop;
	(pc) =	sbr.rel @p0 .LBB2_2-.Ltmp2, $4  }
0x125: {  	s31 =	sadd.s32 s0, s9  }
0x126: {  	[hbm4b:s31+s3] =	stream.linear.scatter [tilespmem:s26], [sflag:$0x6], $0x1000, $0x38;
	[tilespmem:$0x10400] =	vst v63  }
0x127: {  	s0 =	sadd.s32 s0, s10  }
0x128: {  	[hbm4b:s0+s3] =	stream.linear.scatter [tilespmem:s28], [sflag:$0x6], $0x1000, $0x38;
	[tilespmem:$0x10400] =	vst v63  }
0x129: {  	_ =	swait.ge [sflag:s29], $0x1000  }
0x12a: {  	[sflag:s29] =	ssyncset.done $0x0  }
0x12b: {  	[sflag:s29] =	ssyncadd.s32 $0xFFFFF000  }
0x12c: {  	_ =	swait.ge [sflag:s29], $0x1000  }
0x12d: {  	[sflag:s29] =	ssyncset.done $0x0  }
0x12e: {  	[sflag:s29] =	ssyncadd.s32 $0xFFFFF000  }
0x12f: {  	_ =	swait.ge [sflag:s29], $0x1000  }
0x130: {  	[sflag:s29] =	ssyncset.done $0x0  }
0x131: {  	[sflag:s29] =	ssyncadd.s32 $0xFFFFF000  }
0x132: {  	_ =	swait.ge [sflag:s29], $0x1000  }
0x133: {  	[sflag:s29] =	ssyncset.done $0x0  }
0x134: {  	[sflag:s29] =	ssyncadd.s32 $0xFFFFF000  }
0x135: {  	_ =	swait.ge [sflag:s30], $0x1000  }
0x136: {  	[sflag:s30] =	ssyncset.done $0x0  }
0x137: {  	[sflag:s30] =	ssyncadd.s32 $0xFFFFF000  }
0x138: {  	_ =	swait.ge [sflag:s30], $0x1000  }
0x139: {  	[sflag:s30] =	ssyncset.done $0x0  }
0x13a: {  	[sflag:s30] =	ssyncadd.s32 $0xFFFFF000  }
0x13b: {  	_ =	swait.ge [sflag:s30], $0x1000  }
0x13c: {  	[sflag:s30] =	ssyncset.done $0x0  }
0x13d: {  	[sflag:s30] =	ssyncadd.s32 $0xFFFFF000  }
0x13e: {  	_ =	swait.ge [sflag:s30], $0x1000  }
0x13f: {  	s1 =	rddreg [dreg:$0x6]  }
0x140: {  	s0 =	rddreg [dreg:$0x5];
	s1 =	sadd.s32 $0x1, s1  }
0x141: {  	p0 =	sne.s32 s1, s0  }
.Ltmp3:
0x142: {  	_ = 	snop;
	(pc) =	sbr.rel @p0 .LBB2_1-.Ltmp3, $3  }
0x143: {  	_ =	sdelay $0x1  }
0x144: {  	[sflag:s30] =	ssyncset.done $0x0  }
0x145: {  	[sflag:s30] =	ssyncadd.s32 $0xFFFFF000  }
0x146: {  	_ =	sfence.sel $0x180000  }
0x147: {  	[bflag:$0x0] =	sbarrier.arrive $0xFFFF  }
0x148: {  	_ =	strace $0x90000047  }
0x149: {  	s0 =	stileid.u32;
	[bflag:$0x2] =	sbarrier.arrive $0xFFFF  }
0x14a: {  	p0 =	sne.s32 s0, $0x0;
	s0 =	rddreg [dreg:$0x2]  }
0x14b: {  	s0 =	sadd.s32 @!p0 $0x100000, s0  }
0x14c: {  	[sflag:s0] =	ssyncadd.tile.s32 @!p0 $0x1;
	_ =	shalt  }
.Lfunc_end2:
_tile_overlayer_lowered:
.L_overlay_start_2:
0x14d: {  	(tag) =	ssettag $0x2  }
0x14e: {  	s0 =	rddreg [dreg:$0x0];
	s2 =	stileid.u32  }
0x14f: {  	s1 =	rddreg [dreg:$0x1];
	p0 =	sne.s32 s2, $0x0  }
0x150: {  	s3 =	rddreg [dreg:$0x2];
	[bflag:$0x3] =	sbarrier.arrive $0xFFFF;
	s2 =	simm.s32 @!p0 $0x1C07  }
0x151: {  	[timem:s3], [sflag:s2] =	dma.local @!p0 [hbm:s0], s1  }
0x152: {  	s0 =	simm.s32 @!p0 $0x7  }
0x153: {  	_ =	swait.ge @!p0 [sflag:s0], s1  }
0x154: {  	s1 =	ssub.s32 @!p0 $0x0, s1;
	[sflag:s0] =	ssyncset.done @!p0 $0x0  }
0x155: {  	[sflag:s0] =	ssyncadd.s32 @!p0 s1  }
0x156: {  	[bflag:$0x3] =	sbarrier.arrive $0xFFFF  }
0x157: {  	_ =	shalt  }

</sc_bundles>
